<compile_context>
chip_gen: v7x
topology: tpu7x:2x2x1
jax: 0.10.2.dev20260603
libtpu: 0.0.44.dev20260713+nightly
codegen_flags: <defaults>
</compile_context>

<pallas_src>
import dataclasses
import functools

import jax
import jax.numpy as jnp
from jax import lax
from jax.experimental import pallas as pl
from jax.experimental.pallas import tpu as pltpu
from jax.experimental.pallas import tpu_sc as plsc

_B, _C, _N = 2, 8, 20000
_NROW = 16
_NCOL = 1250
_NCOLP = 1280
_SCLEN = _NROW * _NCOLP
_NG = _NCOLP // 16
_MAXOUT = 100
_OUTW = 128
_INTMAX = 2147483647


def _lexmax(v, ix, v2, i2):
    m = (v2 > v) | ((v2 == v) & (i2 < ix))
    return jnp.where(m, v2, v), jnp.where(m, i2, ix)


def _crosslane_lexmax(v, ix):
    mx = jnp.max(v)
    mi = jnp.min(jnp.where(v == mx, ix, _INTMAX))
    return mx, mi


def _nms_body(scores_hbm, boxes_hbm, thr_hbm, out_hbm,
              sc, x1r, y1r, x2r, y2r, l1v, l1i, l2v, l2i,
              ax1, ay1, ax2, ay2, aar, osel, thrv, sem):
    core = lax.axis_index("c")
    sub = lax.axis_index("s")
    active = sub < _C

    @pl.when(active)
    def _():
        b = core
        c = sub

        pltpu.async_copy(scores_hbm.at[b, c], sc, sem).wait()
        pltpu.async_copy(boxes_hbm.at[b, 0], x1r, sem).wait()
        pltpu.async_copy(boxes_hbm.at[b, 1], y1r, sem).wait()
        pltpu.async_copy(boxes_hbm.at[b, 2], x2r, sem).wait()
        pltpu.async_copy(boxes_hbm.at[b, 3], y2r, sem).wait()
        pltpu.async_copy(thr_hbm, thrv, sem).wait()

        iota = lax.iota(jnp.int32, 16)
        lane0 = iota == 0
        neg1f = jnp.full((16,), -1.0, jnp.float32)
        neg1i = jnp.full((16,), -1, jnp.int32)
        far = jnp.full((16,), 9e9, jnp.float32)
        zf = jnp.zeros((16,), jnp.float32)

        for k in range(7):
            sl = pl.ds(16 * k, 16)
            ax1[sl] = far
            ay1[sl] = far
            ax2[sl] = far
            ay2[sl] = far
            aar[sl] = zf
        for k in range(_OUTW // 16):
            osel[pl.ds(16 * k, 16)] = neg1i

        @pl.loop(0, _NG)
        def _build_l1(g):
            col0 = g * 16
            v = sc[pl.ds(col0, 16)]
            ix = col0 + iota
            for j in range(1, _NROW):
                v2 = sc[pl.ds(j * _NCOLP + col0, 16)]
                i2 = (j * _NCOL + col0) + iota
                m = v2 > v
                v = jnp.where(m, v2, v)
                ix = jnp.where(m, i2, ix)
            l1v[pl.ds(col0, 16)] = v
            l1i[pl.ds(col0, 16)] = ix

        @pl.loop(0, _NG // 16)
        def _build_l2(gg):
            g0 = gg * 16
            v = l1v[pl.ds(g0, 16)]
            ix = l1i[pl.ds(g0, 16)]
            for j in range(1, 16):
                v2 = l1v[pl.ds(j * _NG + g0, 16)]
                i2 = l1i[pl.ds(j * _NG + g0, 16)]
                v, ix = _lexmax(v, ix, v2, i2)
            l2v[pl.ds(g0, 16)] = v
            l2i[pl.ds(g0, 16)] = ix

        thr_s = jnp.max(thrv[...])
        iota_row = iota * _NCOLP
        iota_col = iota * _NCOL
        iota_grp = iota * _NG

        def cond(carry):
            nacc, done = carry
            return (nacc < _MAXOUT) & jnp.logical_not(done)

        def body(carry):
            nacc, done = carry
            v = l2v[pl.ds(0, 16)]
            ix = l2i[pl.ds(0, 16)]
            for j in range(1, _NG // 16):
                v, ix = _lexmax(v, ix, l2v[pl.ds(16 * j, 16)],
                                l2i[pl.ds(16 * j, 16)])
            mx, gi = _crosslane_lexmax(v, ix)
            alive = mx >= 0.0

            jrow = (gi * 26844) >> 25
            ccol = gi - jrow * _NCOL
            g2 = ccol - (((ccol * 6554) >> 19) * _NG)

            plsc.store_scatter(sc, [jnp.full((16,), jrow * _NCOLP + ccol)],
                               neg1f, mask=lane0 & alive)

            cv = plsc.load_gather(sc, [iota_row + ccol])
            cmx, cmi = _crosslane_lexmax(cv, iota_col + ccol)
            ccolv = jnp.full((16,), ccol)
            plsc.store_scatter(l1v, [ccolv], jnp.full((16,), cmx), mask=lane0)
            plsc.store_scatter(l1i, [ccolv], jnp.full((16,), cmi), mask=lane0)

            gidx = iota_grp + g2
            gv = plsc.load_gather(l1v, [gidx])
            gx = plsc.load_gather(l1i, [gidx])
            gmx, gmi = _crosslane_lexmax(gv, gx)
            g2v = jnp.full((16,), g2)
            plsc.store_scatter(l2v, [g2v], jnp.full((16,), gmx), mask=lane0)
            plsc.store_scatter(l2i, [g2v], jnp.full((16,), gmi), mask=lane0)

            gfull = jnp.full((16,), gi)
            bx1 = plsc.load_gather(x1r, [gfull])
            by1 = plsc.load_gather(y1r, [gfull])
            bx2 = plsc.load_gather(x2r, [gfull])
            by2 = plsc.load_gather(y2r, [gfull])
            area_a = (jnp.maximum(bx2 - bx1, 0.0)
                      * jnp.maximum(by2 - by1, 0.0))

            supmax = zf
            for k in range(7):
                sl = pl.ds(16 * k, 16)
                a1 = ax1[sl]
                b1 = ay1[sl]
                a2 = ax2[sl]
                b2 = ay2[sl]
                ab = aar[sl]
                xx1 = jnp.maximum(bx1, a1)
                yy1 = jnp.maximum(by1, b1)
                xx2 = jnp.minimum(bx2, a2)
                yy2 = jnp.minimum(by2, b2)
                inter = (jnp.maximum(xx2 - xx1, 0.0)
                         * jnp.maximum(yy2 - yy1, 0.0))
                iou = inter / jnp.maximum(area_a + ab - inter, 1e-9)
                supmax = jnp.maximum(supmax, iou)
            sup = jnp.max(supmax) > thr_s

            accept = alive & jnp.logical_not(sup)
            amask = lane0 & accept
            naccv = jnp.full((16,), nacc)
            plsc.store_scatter(osel, [naccv], gfull, mask=amask)
            plsc.store_scatter(ax1, [naccv], bx1, mask=amask)
            plsc.store_scatter(ay1, [naccv], by1, mask=amask)
            plsc.store_scatter(ax2, [naccv], bx2, mask=amask)
            plsc.store_scatter(ay2, [naccv], by2, mask=amask)
            plsc.store_scatter(aar, [naccv], area_a, mask=amask)

            return nacc + accept.astype(jnp.int32), jnp.logical_not(alive)

        lax.while_loop(cond, body, (jnp.int32(0), jnp.bool_(False)))

        pltpu.async_copy(osel, out_hbm.at[b * _C + c], sem).wait()


@jax.jit
def _nms_sc(scores_p, boxes_p, thr_arr):
    mesh = plsc.VectorSubcoreMesh(core_axis_name="c", subcore_axis_name="s",
                                  num_cores=2, num_subcores=16)
    cp = pltpu.CompilerParams()
    if "needs_layout_passes" in pltpu.CompilerParams.__dataclass_fields__:
        cp = dataclasses.replace(cp, needs_layout_passes=False)
    f = pl.kernel(
        _nms_body,
        out_type=jax.ShapeDtypeStruct((_B * _C, _OUTW), jnp.int32),
        mesh=mesh,
        scratch_types=[
            pltpu.VMEM((_SCLEN,), jnp.float32),
            pltpu.VMEM((_SCLEN,), jnp.float32),
            pltpu.VMEM((_SCLEN,), jnp.float32),
            pltpu.VMEM((_SCLEN,), jnp.float32),
            pltpu.VMEM((_SCLEN,), jnp.float32),
            pltpu.VMEM((_NCOLP,), jnp.float32),
            pltpu.VMEM((_NCOLP,), jnp.int32),
            pltpu.VMEM((_NG,), jnp.float32),
            pltpu.VMEM((_NG,), jnp.int32),
            pltpu.VMEM((112,), jnp.float32),
            pltpu.VMEM((112,), jnp.float32),
            pltpu.VMEM((112,), jnp.float32),
            pltpu.VMEM((112,), jnp.float32),
            pltpu.VMEM((112,), jnp.float32),
            pltpu.VMEM((_OUTW,), jnp.int32),
            pltpu.VMEM((16,), jnp.float32),
            pltpu.SemaphoreType.DMA,
        ],
        compiler_params=cp,
    )
    return f(scores_p, boxes_p, thr_arr)


def kernel(boxes, scores, iou_threshold, max_output_boxes_per_class):
    scores = scores.astype(jnp.float32)
    boxes = boxes.astype(jnp.float32)
    sp = scores.reshape(_B, _C, _NROW, _NCOL)
    sp = jnp.concatenate(
        [sp, jnp.full((_B, _C, _NROW, _NCOLP - _NCOL), -1.0, jnp.float32)],
        axis=-1).reshape(_B, _C, _SCLEN)
    bt = jnp.transpose(boxes, (0, 2, 1))
    bt = jnp.concatenate(
        [bt, jnp.zeros((_B, 4, _SCLEN - _N), jnp.float32)], axis=-1)
    thr_arr = jnp.full((16,), iou_threshold, jnp.float32)

    sel = _nms_sc(sp, bt, thr_arr)[:, :_MAXOUT]

    slot_ok = jnp.arange(_MAXOUT, dtype=jnp.int32) < max_output_boxes_per_class
    sel = jnp.where(slot_ok[None, :], sel, jnp.int32(-1))
    bi = jnp.repeat(jnp.arange(_B, dtype=jnp.int32), _C)
    ci = jnp.tile(jnp.arange(_C, dtype=jnp.int32), _B)
    bi = jnp.broadcast_to(bi[:, None], (_B * _C, _MAXOUT))
    ci = jnp.broadcast_to(ci[:, None], (_B * _C, _MAXOUT))
    rows = jnp.stack([bi, ci, sel], axis=-1).reshape(_B * _C * _MAXOUT, 3)
    return rows.astype(jnp.int64)

# --- scband reference (transcript-rebuilt; emitter-appended) ---
"""Pipeline reference for scband-non-max-suppression-22316650070073 (READ-ONLY COPY).

The authoritative reference and input builder live on the scoring server;
editing this copy changes nothing except your own understanding.
"""

import jax, jax.numpy as jnp
import numpy as np

B, C, N = 2, 8, 20000
IOU_THR = 0.5
MAX_OUT = 100


def setup_inputs(seed: int = 0):
    key = jax.random.key(seed)
    k1, k2 = jax.random.split(key)
    boxes = jax.random.uniform(k1, (B, N, 4), dtype=jnp.float32)
    scores = jax.random.uniform(k2, (B, C, N), dtype=jnp.float32)
    return {
        "boxes": boxes,
        "scores": scores,
        "iou_threshold": IOU_THR,
        "max_output_boxes_per_class": MAX_OUT,
    }


def _iou_one_to_many(box, boxes):
    xx1 = jnp.maximum(box[0], boxes[:, 0])
    yy1 = jnp.maximum(box[1], boxes[:, 1])
    xx2 = jnp.minimum(box[2], boxes[:, 2])
    yy2 = jnp.minimum(box[3], boxes[:, 3])
    inter = jnp.clip(xx2 - xx1, 0.0) * jnp.clip(yy2 - yy1, 0.0)
    area_a = jnp.clip(box[2] - box[0], 0.0) * jnp.clip(box[3] - box[1], 0.0)
    area_b = jnp.clip(boxes[:, 2] - boxes[:, 0], 0.0) * jnp.clip(boxes[:, 3] - boxes[:, 1], 0.0)
    return inter / jnp.maximum(area_a + area_b - inter, 1e-9)


def _nms_single(boxes, scores, iou_threshold, max_out):
    n = scores.shape[0]

    def step(valid, _):
        ms = jnp.where(valid, scores, -jnp.inf)
        idx = jnp.argmax(ms)
        ok = ms[idx] > -jnp.inf
        ious = _iou_one_to_many(boxes[idx], boxes)
        nv = valid & (ious <= iou_threshold)
        nv = nv.at[idx].set(False)
        nv = jnp.where(ok, nv, valid)
        sel = jnp.where(ok, idx.astype(jnp.int32), jnp.int32(-1))
        return nv, sel

    valid0 = jnp.ones((n,), dtype=bool)
    _, sel = jax.lax.scan(step, valid0, None, length=MAX_OUT)
    slot_ok = jnp.arange(MAX_OUT, dtype=jnp.int32) < max_out
    sel = jnp.where(slot_ok, sel, jnp.int32(-1))
    return sel


def reference(boxes, scores, iou_threshold, max_output_boxes_per_class):
    # Greedy per-batch, per-class NMS. Output rows are [batch_idx, class_idx, box_idx],
    # fixed shape [B*C*max_out, 3] with box_idx == -1 padding for empty slots
    # (fixed-shape analogue of the torch module's variable-length list output).
    rows = []
    for b in range(boxes.shape[0]):
        for c in range(scores.shape[1]):
            sel = _nms_single(boxes[b], scores[b, c], iou_threshold, max_output_boxes_per_class)
            bi = jnp.full_like(sel, b)
            ci = jnp.full_like(sel, c)
            rows.append(jnp.stack([bi, ci, sel], axis=-1))
    return jnp.concatenate(rows, axis=0).astype(jnp.int64)

if __name__ == "__main__":
    import jax
    _d = setup_inputs()
    print(jax.jit(kernel)(*tuple(_d.values())))

</pallas_src>

<mosaic_0001>
#map = affine_map<(d0, d1) -> (0, 0, 0)>
#map1 = affine_map<(d0, d1) -> (0)>
#map2 = affine_map<(d0, d1) -> (0, 0)>
module attributes {stable_mosaic.version = 14 : i64} {
  func.func @_nms_body(%arg0: i32, %arg1: i32, %arg2: memref<2x8x20480xf32, #tpu.memory_space<hbm>>, %arg3: memref<2x4x20480xf32, #tpu.memory_space<hbm>>, %arg4: memref<16xf32, #tpu.memory_space<hbm>>, %arg5: memref<16x128xi32, #tpu.memory_space<hbm>>, %arg6: memref<20480xf32, #tpu.memory_space<vmem>>, %arg7: memref<20480xf32, #tpu.memory_space<vmem>>, %arg8: memref<20480xf32, #tpu.memory_space<vmem>>, %arg9: memref<20480xf32, #tpu.memory_space<vmem>>, %arg10: memref<20480xf32, #tpu.memory_space<vmem>>, %arg11: memref<1280xf32, #tpu.memory_space<vmem>>, %arg12: memref<1280xi32, #tpu.memory_space<vmem>>, %arg13: memref<80xf32, #tpu.memory_space<vmem>>, %arg14: memref<80xi32, #tpu.memory_space<vmem>>, %arg15: memref<112xf32, #tpu.memory_space<vmem>>, %arg16: memref<112xf32, #tpu.memory_space<vmem>>, %arg17: memref<112xf32, #tpu.memory_space<vmem>>, %arg18: memref<112xf32, #tpu.memory_space<vmem>>, %arg19: memref<112xf32, #tpu.memory_space<vmem>>, %arg20: memref<128xi32, #tpu.memory_space<vmem>>, %arg21: memref<16xf32, #tpu.memory_space<vmem>>, %arg22: memref<!tpu.dma_semaphore, #tpu.memory_space<semaphore_mem>>) attributes {dimension_semantics = [#tpu.dimension_semantics<core_parallel>, #tpu.dimension_semantics<subcore_parallel>], iteration_bounds = array<i64: 2, 16>, scalar_prefetch = 0 : i64, scratch_operands = 17 : i64, tpu.core_type = #tpu.core_type<sc_vector_subcore>, window_params = [{transform_indices = #map}, {transform_indices = #map}, {transform_indices = #map1}, {transform_indices = #map2}]} {
    %lt3A = arith.constant 8 : i32
    %lt3A_0 = arith.cmpi slt, %arg1, %lt3A : i32
    %convert_element_type3A = arith.extui %lt3A_0 : i1 to i32
    %cond3A = arith.constant 0 : i32
    %cond3A_1 = arith.cmpi ne, %convert_element_type3A, %cond3A : i32
    scf.if %cond3A_1 {
      %dma_start3A = arith.constant 0 : i32
      %dma_start3A_2 = tpu.memref_slice %arg2[%arg0, %arg1, %dma_start3A] : memref<2x8x20480xf32, #tpu.memory_space<hbm>> -> memref<1x1x20480xf32, #tpu.memory_space<hbm>>
      %dma_start3A_3 = tpu.memref_squeeze %dma_start3A_2 : memref<1x1x20480xf32, #tpu.memory_space<hbm>> -> memref<20480xf32, #tpu.memory_space<hbm>>
      %dma_start3A_4 = arith.constant 0 : i32
      %dma_start3A_5 = tpu.memref_slice %arg2[%arg0, %arg1, %dma_start3A_4] : memref<2x8x20480xf32, #tpu.memory_space<hbm>> -> memref<1x1x20480xf32, #tpu.memory_space<hbm>>
      %dma_start3A_6 = tpu.memref_squeeze %dma_start3A_5 : memref<1x1x20480xf32, #tpu.memory_space<hbm>> -> memref<20480xf32, #tpu.memory_space<hbm>>
      tpu.enqueue_dma source(%dma_start3A_6 : memref<20480xf32, #tpu.memory_space<hbm>>) target(%arg6 : memref<20480xf32, #tpu.memory_space<vmem>>) target_semaphore(%arg22 : memref<!tpu.dma_semaphore, #tpu.memory_space<semaphore_mem>>)
      %dma_wait3A = arith.constant 0 : i32
      %dma_wait3A_7 = tpu.memref_slice %arg2[%arg0, %arg1, %dma_wait3A] : memref<2x8x20480xf32, #tpu.memory_space<hbm>> -> memref<1x1x20480xf32, #tpu.memory_space<hbm>>
      %dma_wait3A_8 = tpu.memref_squeeze %dma_wait3A_7 : memref<1x1x20480xf32, #tpu.memory_space<hbm>> -> memref<20480xf32, #tpu.memory_space<hbm>>
      %dma_wait3A_9 = arith.constant 0 : i32
      %dma_wait3A_10 = tpu.memref_slice %arg2[%arg0, %arg1, %dma_wait3A_9] : memref<2x8x20480xf32, #tpu.memory_space<hbm>> -> memref<1x1x20480xf32, #tpu.memory_space<hbm>>
      %dma_wait3A_11 = tpu.memref_squeeze %dma_wait3A_10 : memref<1x1x20480xf32, #tpu.memory_space<hbm>> -> memref<20480xf32, #tpu.memory_space<hbm>>
      tpu.wait_dma2 semaphore(%arg22 : memref<!tpu.dma_semaphore, #tpu.memory_space<semaphore_mem>>) src(%dma_wait3A_11 : memref<20480xf32, #tpu.memory_space<hbm>>) dst(%arg6 : memref<20480xf32, #tpu.memory_space<vmem>>)
      %dma_start3A_12 = arith.constant 0 : i32
      %dma_start3A_13 = arith.constant 0 : i32
      %dma_start3A_14 = tpu.memref_slice %arg3[%arg0, %dma_start3A_12, %dma_start3A_13] : memref<2x4x20480xf32, #tpu.memory_space<hbm>> -> memref<1x1x20480xf32, #tpu.memory_space<hbm>>
      %dma_start3A_15 = tpu.memref_squeeze %dma_start3A_14 : memref<1x1x20480xf32, #tpu.memory_space<hbm>> -> memref<20480xf32, #tpu.memory_space<hbm>>
      %dma_start3A_16 = arith.constant 0 : i32
      %dma_start3A_17 = tpu.memref_slice %arg3[%arg0, %dma_start3A_12, %dma_start3A_16] : memref<2x4x20480xf32, #tpu.memory_space<hbm>> -> memref<1x1x20480xf32, #tpu.memory_space<hbm>>
      %dma_start3A_18 = tpu.memref_squeeze %dma_start3A_17 : memref<1x1x20480xf32, #tpu.memory_space<hbm>> -> memref<20480xf32, #tpu.memory_space<hbm>>
      tpu.enqueue_dma source(%dma_start3A_18 : memref<20480xf32, #tpu.memory_space<hbm>>) target(%arg7 : memref<20480xf32, #tpu.memory_space<vmem>>) target_semaphore(%arg22 : memref<!tpu.dma_semaphore, #tpu.memory_space<semaphore_mem>>)
      %dma_wait3A_19 = arith.constant 0 : i32
      %dma_wait3A_20 = arith.constant 0 : i32
      %dma_wait3A_21 = tpu.memref_slice %arg3[%arg0, %dma_wait3A_19, %dma_wait3A_20] : memref<2x4x20480xf32, #tpu.memory_space<hbm>> -> memref<1x1x20480xf32, #tpu.memory_space<hbm>>
      %dma_wait3A_22 = tpu.memref_squeeze %dma_wait3A_21 : memref<1x1x20480xf32, #tpu.memory_space<hbm>> -> memref<20480xf32, #tpu.memory_space<hbm>>
      %dma_wait3A_23 = arith.constant 0 : i32
      %dma_wait3A_24 = tpu.memref_slice %arg3[%arg0, %dma_wait3A_19, %dma_wait3A_23] : memref<2x4x20480xf32, #tpu.memory_space<hbm>> -> memref<1x1x20480xf32, #tpu.memory_space<hbm>>
      %dma_wait3A_25 = tpu.memref_squeeze %dma_wait3A_24 : memref<1x1x20480xf32, #tpu.memory_space<hbm>> -> memref<20480xf32, #tpu.memory_space<hbm>>
      tpu.wait_dma2 semaphore(%arg22 : memref<!tpu.dma_semaphore, #tpu.memory_space<semaphore_mem>>) src(%dma_wait3A_25 : memref<20480xf32, #tpu.memory_space<hbm>>) dst(%arg7 : memref<20480xf32, #tpu.memory_space<vmem>>)
      %dma_start3A_26 = arith.constant 1 : i32
      %dma_start3A_27 = arith.constant 0 : i32
      %dma_start3A_28 = tpu.memref_slice %arg3[%arg0, %dma_start3A_26, %dma_start3A_27] : memref<2x4x20480xf32, #tpu.memory_space<hbm>> -> memref<1x1x20480xf32, #tpu.memory_space<hbm>>
      %dma_start3A_29 = tpu.memref_squeeze %dma_start3A_28 : memref<1x1x20480xf32, #tpu.memory_space<hbm>> -> memref<20480xf32, #tpu.memory_space<hbm>>
      %dma_start3A_30 = arith.constant 0 : i32
      %dma_start3A_31 = tpu.memref_slice %arg3[%arg0, %dma_start3A_26, %dma_start3A_30] : memref<2x4x20480xf32, #tpu.memory_space<hbm>> -> memref<1x1x20480xf32, #tpu.memory_space<hbm>>
      %dma_start3A_32 = tpu.memref_squeeze %dma_start3A_31 : memref<1x1x20480xf32, #tpu.memory_space<hbm>> -> memref<20480xf32, #tpu.memory_space<hbm>>
      tpu.enqueue_dma source(%dma_start3A_32 : memref<20480xf32, #tpu.memory_space<hbm>>) target(%arg8 : memref<20480xf32, #tpu.memory_space<vmem>>) target_semaphore(%arg22 : memref<!tpu.dma_semaphore, #tpu.memory_space<semaphore_mem>>)
      %dma_wait3A_33 = arith.constant 1 : i32
      %dma_wait3A_34 = arith.constant 0 : i32
      %dma_wait3A_35 = tpu.memref_slice %arg3[%arg0, %dma_wait3A_33, %dma_wait3A_34] : memref<2x4x20480xf32, #tpu.memory_space<hbm>> -> memref<1x1x20480xf32, #tpu.memory_space<hbm>>
      %dma_wait3A_36 = tpu.memref_squeeze %dma_wait3A_35 : memref<1x1x20480xf32, #tpu.memory_space<hbm>> -> memref<20480xf32, #tpu.memory_space<hbm>>
      %dma_wait3A_37 = arith.constant 0 : i32
      %dma_wait3A_38 = tpu.memref_slice %arg3[%arg0, %dma_wait3A_33, %dma_wait3A_37] : memref<2x4x20480xf32, #tpu.memory_space<hbm>> -> memref<1x1x20480xf32, #tpu.memory_space<hbm>>
      %dma_wait3A_39 = tpu.memref_squeeze %dma_wait3A_38 : memref<1x1x20480xf32, #tpu.memory_space<hbm>> -> memref<20480xf32, #tpu.memory_space<hbm>>
      tpu.wait_dma2 semaphore(%arg22 : memref<!tpu.dma_semaphore, #tpu.memory_space<semaphore_mem>>) src(%dma_wait3A_39 : memref<20480xf32, #tpu.memory_space<hbm>>) dst(%arg8 : memref<20480xf32, #tpu.memory_space<vmem>>)
      %dma_start3A_40 = arith.constant 2 : i32
      %dma_start3A_41 = arith.constant 0 : i32
      %dma_start3A_42 = tpu.memref_slice %arg3[%arg0, %dma_start3A_40, %dma_start3A_41] : memref<2x4x20480xf32, #tpu.memory_space<hbm>> -> memref<1x1x20480xf32, #tpu.memory_space<hbm>>
      %dma_start3A_43 = tpu.memref_squeeze %dma_start3A_42 : memref<1x1x20480xf32, #tpu.memory_space<hbm>> -> memref<20480xf32, #tpu.memory_space<hbm>>
      %dma_start3A_44 = arith.constant 0 : i32
      %dma_start3A_45 = tpu.memref_slice %arg3[%arg0, %dma_start3A_40, %dma_start3A_44] : memref<2x4x20480xf32, #tpu.memory_space<hbm>> -> memref<1x1x20480xf32, #tpu.memory_space<hbm>>
      %dma_start3A_46 = tpu.memref_squeeze %dma_start3A_45 : memref<1x1x20480xf32, #tpu.memory_space<hbm>> -> memref<20480xf32, #tpu.memory_space<hbm>>
      tpu.enqueue_dma source(%dma_start3A_46 : memref<20480xf32, #tpu.memory_space<hbm>>) target(%arg9 : memref<20480xf32, #tpu.memory_space<vmem>>) target_semaphore(%arg22 : memref<!tpu.dma_semaphore, #tpu.memory_space<semaphore_mem>>)
      %dma_wait3A_47 = arith.constant 2 : i32
      %dma_wait3A_48 = arith.constant 0 : i32
      %dma_wait3A_49 = tpu.memref_slice %arg3[%arg0, %dma_wait3A_47, %dma_wait3A_48] : memref<2x4x20480xf32, #tpu.memory_space<hbm>> -> memref<1x1x20480xf32, #tpu.memory_space<hbm>>
      %dma_wait3A_50 = tpu.memref_squeeze %dma_wait3A_49 : memref<1x1x20480xf32, #tpu.memory_space<hbm>> -> memref<20480xf32, #tpu.memory_space<hbm>>
      %dma_wait3A_51 = arith.constant 0 : i32
      %dma_wait3A_52 = tpu.memref_slice %arg3[%arg0, %dma_wait3A_47, %dma_wait3A_51] : memref<2x4x20480xf32, #tpu.memory_space<hbm>> -> memref<1x1x20480xf32, #tpu.memory_space<hbm>>
      %dma_wait3A_53 = tpu.memref_squeeze %dma_wait3A_52 : memref<1x1x20480xf32, #tpu.memory_space<hbm>> -> memref<20480xf32, #tpu.memory_space<hbm>>
      tpu.wait_dma2 semaphore(%arg22 : memref<!tpu.dma_semaphore, #tpu.memory_space<semaphore_mem>>) src(%dma_wait3A_53 : memref<20480xf32, #tpu.memory_space<hbm>>) dst(%arg9 : memref<20480xf32, #tpu.memory_space<vmem>>)
      %dma_start3A_54 = arith.constant 3 : i32
      %dma_start3A_55 = arith.constant 0 : i32
      %dma_start3A_56 = tpu.memref_slice %arg3[%arg0, %dma_start3A_54, %dma_start3A_55] : memref<2x4x20480xf32, #tpu.memory_space<hbm>> -> memref<1x1x20480xf32, #tpu.memory_space<hbm>>
      %dma_start3A_57 = tpu.memref_squeeze %dma_start3A_56 : memref<1x1x20480xf32, #tpu.memory_space<hbm>> -> memref<20480xf32, #tpu.memory_space<hbm>>
      %dma_start3A_58 = arith.constant 0 : i32
      %dma_start3A_59 = tpu.memref_slice %arg3[%arg0, %dma_start3A_54, %dma_start3A_58] : memref<2x4x20480xf32, #tpu.memory_space<hbm>> -> memref<1x1x20480xf32, #tpu.memory_space<hbm>>
      %dma_start3A_60 = tpu.memref_squeeze %dma_start3A_59 : memref<1x1x20480xf32, #tpu.memory_space<hbm>> -> memref<20480xf32, #tpu.memory_space<hbm>>
      tpu.enqueue_dma source(%dma_start3A_60 : memref<20480xf32, #tpu.memory_space<hbm>>) target(%arg10 : memref<20480xf32, #tpu.memory_space<vmem>>) target_semaphore(%arg22 : memref<!tpu.dma_semaphore, #tpu.memory_space<semaphore_mem>>)
      %dma_wait3A_61 = arith.constant 3 : i32
      %dma_wait3A_62 = arith.constant 0 : i32
      %dma_wait3A_63 = tpu.memref_slice %arg3[%arg0, %dma_wait3A_61, %dma_wait3A_62] : memref<2x4x20480xf32, #tpu.memory_space<hbm>> -> memref<1x1x20480xf32, #tpu.memory_space<hbm>>
      %dma_wait3A_64 = tpu.memref_squeeze %dma_wait3A_63 : memref<1x1x20480xf32, #tpu.memory_space<hbm>> -> memref<20480xf32, #tpu.memory_space<hbm>>
      %dma_wait3A_65 = arith.constant 0 : i32
      %dma_wait3A_66 = tpu.memref_slice %arg3[%arg0, %dma_wait3A_61, %dma_wait3A_65] : memref<2x4x20480xf32, #tpu.memory_space<hbm>> -> memref<1x1x20480xf32, #tpu.memory_space<hbm>>
      %dma_wait3A_67 = tpu.memref_squeeze %dma_wait3A_66 : memref<1x1x20480xf32, #tpu.memory_space<hbm>> -> memref<20480xf32, #tpu.memory_space<hbm>>
      tpu.wait_dma2 semaphore(%arg22 : memref<!tpu.dma_semaphore, #tpu.memory_space<semaphore_mem>>) src(%dma_wait3A_67 : memref<20480xf32, #tpu.memory_space<hbm>>) dst(%arg10 : memref<20480xf32, #tpu.memory_space<vmem>>)
      tpu.enqueue_dma source(%arg4 : memref<16xf32, #tpu.memory_space<hbm>>) target(%arg21 : memref<16xf32, #tpu.memory_space<vmem>>) target_semaphore(%arg22 : memref<!tpu.dma_semaphore, #tpu.memory_space<semaphore_mem>>)
      tpu.wait_dma2 semaphore(%arg22 : memref<!tpu.dma_semaphore, #tpu.memory_space<semaphore_mem>>) src(%arg4 : memref<16xf32, #tpu.memory_space<hbm>>) dst(%arg21 : memref<16xf32, #tpu.memory_space<vmem>>)
      %iota3A = tpu.iota {dimensions = array<i32: 0>} : vector<16xi32>
      %eq3A = arith.constant 0 : i32
      %eq3A_68 = vector.broadcast %eq3A : i32 to vector<16xi32>
      %eq3A_69 = arith.cmpi eq, %iota3A, %eq3A_68 : vector<16xi32>
      %broadcast_in_dim3A = arith.constant -1.000000e+00 : f32
      %broadcast_in_dim3A_70 = vector.broadcast %broadcast_in_dim3A : f32 to vector<16xf32>
      %broadcast_in_dim3A_71 = arith.constant -1 : i32
      %broadcast_in_dim3A_72 = vector.broadcast %broadcast_in_dim3A_71 : i32 to vector<16xi32>
      %broadcast_in_dim3A_73 = arith.constant 8.99999948E+9 : f32
      %broadcast_in_dim3A_74 = vector.broadcast %broadcast_in_dim3A_73 : f32 to vector<16xf32>
      %broadcast_in_dim3A_75 = arith.constant 0.000000e+00 : f32
      %broadcast_in_dim3A_76 = vector.broadcast %broadcast_in_dim3A_75 : f32 to vector<16xf32>
      %swap3A = arith.constant 0 : index
      %swap3A_77 = tpu.vector_load %arg15[%swap3A] {strides = array<i32>} : memref<112xf32, #tpu.memory_space<vmem>>, vector<16xf32>,
      tpu.vector_store %arg15[%swap3A], %broadcast_in_dim3A_74 {strides = array<i32>} : memref<112xf32, #tpu.memory_space<vmem>>, vector<16xf32>,
      %swap3A_78 = arith.constant 0 : index
      %swap3A_79 = tpu.vector_load %arg16[%swap3A_78] {strides = array<i32>} : memref<112xf32, #tpu.memory_space<vmem>>, vector<16xf32>,
      tpu.vector_store %arg16[%swap3A_78], %broadcast_in_dim3A_74 {strides = array<i32>} : memref<112xf32, #tpu.memory_space<vmem>>, vector<16xf32>,
      %swap3A_80 = arith.constant 0 : index
      %swap3A_81 = tpu.vector_load %arg17[%swap3A_80] {strides = array<i32>} : memref<112xf32, #tpu.memory_space<vmem>>, vector<16xf32>,
      tpu.vector_store %arg17[%swap3A_80], %broadcast_in_dim3A_74 {strides = array<i32>} : memref<112xf32, #tpu.memory_space<vmem>>, vector<16xf32>,
      %swap3A_82 = arith.constant 0 : index
      %swap3A_83 = tpu.vector_load %arg18[%swap3A_82] {strides = array<i32>} : memref<112xf32, #tpu.memory_space<vmem>>, vector<16xf32>,
      tpu.vector_store %arg18[%swap3A_82], %broadcast_in_dim3A_74 {strides = array<i32>} : memref<112xf32, #tpu.memory_space<vmem>>, vector<16xf32>,
      %swap3A_84 = arith.constant 0 : index
      %swap3A_85 = tpu.vector_load %arg19[%swap3A_84] {strides = array<i32>} : memref<112xf32, #tpu.memory_space<vmem>>, vector<16xf32>,
      tpu.vector_store %arg19[%swap3A_84], %broadcast_in_dim3A_76 {strides = array<i32>} : memref<112xf32, #tpu.memory_space<vmem>>, vector<16xf32>,
      %swap3A_86 = arith.constant 16 : index
      %swap3A_87 = tpu.vector_load %arg15[%swap3A_86] {strides = array<i32>} : memref<112xf32, #tpu.memory_space<vmem>>, vector<16xf32>,
      tpu.vector_store %arg15[%swap3A_86], %broadcast_in_dim3A_74 {strides = array<i32>} : memref<112xf32, #tpu.memory_space<vmem>>, vector<16xf32>,
      %swap3A_88 = arith.constant 16 : index
      %swap3A_89 = tpu.vector_load %arg16[%swap3A_88] {strides = array<i32>} : memref<112xf32, #tpu.memory_space<vmem>>, vector<16xf32>,
      tpu.vector_store %arg16[%swap3A_88], %broadcast_in_dim3A_74 {strides = array<i32>} : memref<112xf32, #tpu.memory_space<vmem>>, vector<16xf32>,
      %swap3A_90 = arith.constant 16 : index
      %swap3A_91 = tpu.vector_load %arg17[%swap3A_90] {strides = array<i32>} : memref<112xf32, #tpu.memory_space<vmem>>, vector<16xf32>,
      tpu.vector_store %arg17[%swap3A_90], %broadcast_in_dim3A_74 {strides = array<i32>} : memref<112xf32, #tpu.memory_space<vmem>>, vector<16xf32>,
      %swap3A_92 = arith.constant 16 : index
      %swap3A_93 = tpu.vector_load %arg18[%swap3A_92] {strides = array<i32>} : memref<112xf32, #tpu.memory_space<vmem>>, vector<16xf32>,
      tpu.vector_store %arg18[%swap3A_92], %broadcast_in_dim3A_74 {strides = array<i32>} : memref<112xf32, #tpu.memory_space<vmem>>, vector<16xf32>,
      %swap3A_94 = arith.constant 16 : index
      %swap3A_95 = tpu.vector_load %arg19[%swap3A_94] {strides = array<i32>} : memref<112xf32, #tpu.memory_space<vmem>>, vector<16xf32>,
      tpu.vector_store %arg19[%swap3A_94], %broadcast_in_dim3A_76 {strides = array<i32>} : memref<112xf32, #tpu.memory_space<vmem>>, vector<16xf32>,
      %swap3A_96 = arith.constant 32 : index
      %swap3A_97 = tpu.vector_load %arg15[%swap3A_96] {strides = array<i32>} : memref<112xf32, #tpu.memory_space<vmem>>, vector<16xf32>,
      tpu.vector_store %arg15[%swap3A_96], %broadcast_in_dim3A_74 {strides = array<i32>} : memref<112xf32, #tpu.memory_space<vmem>>, vector<16xf32>,
      %swap3A_98 = arith.constant 32 : index
      %swap3A_99 = tpu.vector_load %arg16[%swap3A_98] {strides = array<i32>} : memref<112xf32, #tpu.memory_space<vmem>>, vector<16xf32>,
      tpu.vector_store %arg16[%swap3A_98], %broadcast_in_dim3A_74 {strides = array<i32>} : memref<112xf32, #tpu.memory_space<vmem>>, vector<16xf32>,
      %swap3A_100 = arith.constant 32 : index
      %swap3A_101 = tpu.vector_load %arg17[%swap3A_100] {strides = array<i32>} : memref<112xf32, #tpu.memory_space<vmem>>, vector<16xf32>,
      tpu.vector_store %arg17[%swap3A_100], %broadcast_in_dim3A_74 {strides = array<i32>} : memref<112xf32, #tpu.memory_space<vmem>>, vector<16xf32>,
      %swap3A_102 = arith.constant 32 : index
      %swap3A_103 = tpu.vector_load %arg18[%swap3A_102] {strides = array<i32>} : memref<112xf32, #tpu.memory_space<vmem>>, vector<16xf32>,
      tpu.vector_store %arg18[%swap3A_102], %broadcast_in_dim3A_74 {strides = array<i32>} : memref<112xf32, #tpu.memory_space<vmem>>, vector<16xf32>,
      %swap3A_104 = arith.constant 32 : index
      %swap3A_105 = tpu.vector_load %arg19[%swap3A_104] {strides = array<i32>} : memref<112xf32, #tpu.memory_space<vmem>>, vector<16xf32>,
      tpu.vector_store %arg19[%swap3A_104], %broadcast_in_dim3A_76 {strides = array<i32>} : memref<112xf32, #tpu.memory_space<vmem>>, vector<16xf32>,
      %swap3A_106 = arith.constant 48 : index
      %swap3A_107 = tpu.vector_load %arg15[%swap3A_106] {strides = array<i32>} : memref<112xf32, #tpu.memory_space<vmem>>, vector<16xf32>,
      tpu.vector_store %arg15[%swap3A_106], %broadcast_in_dim3A_74 {strides = array<i32>} : memref<112xf32, #tpu.memory_space<vmem>>, vector<16xf32>,
      %swap3A_108 = arith.constant 48 : index
      %swap3A_109 = tpu.vector_load %arg16[%swap3A_108] {strides = array<i32>} : memref<112xf32, #tpu.memory_space<vmem>>, vector<16xf32>,
      tpu.vector_store %arg16[%swap3A_108], %broadcast_in_dim3A_74 {strides = array<i32>} : memref<112xf32, #tpu.memory_space<vmem>>, vector<16xf32>,
      %swap3A_110 = arith.constant 48 : index
      %swap3A_111 = tpu.vector_load %arg17[%swap3A_110] {strides = array<i32>} : memref<112xf32, #tpu.memory_space<vmem>>, vector<16xf32>,
      tpu.vector_store %arg17[%swap3A_110], %broadcast_in_dim3A_74 {strides = array<i32>} : memref<112xf32, #tpu.memory_space<vmem>>, vector<16xf32>,
      %swap3A_112 = arith.constant 48 : index
      %swap3A_113 = tpu.vector_load %arg18[%swap3A_112] {strides = array<i32>} : memref<112xf32, #tpu.memory_space<vmem>>, vector<16xf32>,
      tpu.vector_store %arg18[%swap3A_112], %broadcast_in_dim3A_74 {strides = array<i32>} : memref<112xf32, #tpu.memory_space<vmem>>, vector<16xf32>,
      %swap3A_114 = arith.constant 48 : index
      %swap3A_115 = tpu.vector_load %arg19[%swap3A_114] {strides = array<i32>} : memref<112xf32, #tpu.memory_space<vmem>>, vector<16xf32>,
      tpu.vector_store %arg19[%swap3A_114], %broadcast_in_dim3A_76 {strides = array<i32>} : memref<112xf32, #tpu.memory_space<vmem>>, vector<16xf32>,
      %swap3A_116 = arith.constant 64 : index
      %swap3A_117 = tpu.vector_load %arg15[%swap3A_116] {strides = array<i32>} : memref<112xf32, #tpu.memory_space<vmem>>, vector<16xf32>,
      tpu.vector_store %arg15[%swap3A_116], %broadcast_in_dim3A_74 {strides = array<i32>} : memref<112xf32, #tpu.memory_space<vmem>>, vector<16xf32>,
      %swap3A_118 = arith.constant 64 : index
      %swap3A_119 = tpu.vector_load %arg16[%swap3A_118] {strides = array<i32>} : memref<112xf32, #tpu.memory_space<vmem>>, vector<16xf32>,
      tpu.vector_store %arg16[%swap3A_118], %broadcast_in_dim3A_74 {strides = array<i32>} : memref<112xf32, #tpu.memory_space<vmem>>, vector<16xf32>,
      %swap3A_120 = arith.constant 64 : index
      %swap3A_121 = tpu.vector_load %arg17[%swap3A_120] {strides = array<i32>} : memref<112xf32, #tpu.memory_space<vmem>>, vector<16xf32>,
      tpu.vector_store %arg17[%swap3A_120], %broadcast_in_dim3A_74 {strides = array<i32>} : memref<112xf32, #tpu.memory_space<vmem>>, vector<16xf32>,
      %swap3A_122 = arith.constant 64 : index
      %swap3A_123 = tpu.vector_load %arg18[%swap3A_122] {strides = array<i32>} : memref<112xf32, #tpu.memory_space<vmem>>, vector<16xf32>,
      tpu.vector_store %arg18[%swap3A_122], %broadcast_in_dim3A_74 {strides = array<i32>} : memref<112xf32, #tpu.memory_space<vmem>>, vector<16xf32>,
      %swap3A_124 = arith.constant 64 : index
      %swap3A_125 = tpu.vector_load %arg19[%swap3A_124] {strides = array<i32>} : memref<112xf32, #tpu.memory_space<vmem>>, vector<16xf32>,
      tpu.vector_store %arg19[%swap3A_124], %broadcast_in_dim3A_76 {strides = array<i32>} : memref<112xf32, #tpu.memory_space<vmem>>, vector<16xf32>,
      %swap3A_126 = arith.constant 80 : index
      %swap3A_127 = tpu.vector_load %arg15[%swap3A_126] {strides = array<i32>} : memref<112xf32, #tpu.memory_space<vmem>>, vector<16xf32>,
      tpu.vector_store %arg15[%swap3A_126], %broadcast_in_dim3A_74 {strides = array<i32>} : memref<112xf32, #tpu.memory_space<vmem>>, vector<16xf32>,
      %swap3A_128 = arith.constant 80 : index
      %swap3A_129 = tpu.vector_load %arg16[%swap3A_128] {strides = array<i32>} : memref<112xf32, #tpu.memory_space<vmem>>, vector<16xf32>,
      tpu.vector_store %arg16[%swap3A_128], %broadcast_in_dim3A_74 {strides = array<i32>} : memref<112xf32, #tpu.memory_space<vmem>>, vector<16xf32>,
      %swap3A_130 = arith.constant 80 : index
      %swap3A_131 = tpu.vector_load %arg17[%swap3A_130] {strides = array<i32>} : memref<112xf32, #tpu.memory_space<vmem>>, vector<16xf32>,
      tpu.vector_store %arg17[%swap3A_130], %broadcast_in_dim3A_74 {strides = array<i32>} : memref<112xf32, #tpu.memory_space<vmem>>, vector<16xf32>,
      %swap3A_132 = arith.constant 80 : index
      %swap3A_133 = tpu.vector_load %arg18[%swap3A_132] {strides = array<i32>} : memref<112xf32, #tpu.memory_space<vmem>>, vector<16xf32>,
      tpu.vector_store %arg18[%swap3A_132], %broadcast_in_dim3A_74 {strides = array<i32>} : memref<112xf32, #tpu.memory_space<vmem>>, vector<16xf32>,
      %swap3A_134 = arith.constant 80 : index
      %swap3A_135 = tpu.vector_load %arg19[%swap3A_134] {strides = array<i32>} : memref<112xf32, #tpu.memory_space<vmem>>, vector<16xf32>,
      tpu.vector_store %arg19[%swap3A_134], %broadcast_in_dim3A_76 {strides = array<i32>} : memref<112xf32, #tpu.memory_space<vmem>>, vector<16xf32>,
      %swap3A_136 = arith.constant 96 : index
      %swap3A_137 = tpu.vector_load %arg15[%swap3A_136] {strides = array<i32>} : memref<112xf32, #tpu.memory_space<vmem>>, vector<16xf32>,
      tpu.vector_store %arg15[%swap3A_136], %broadcast_in_dim3A_74 {strides = array<i32>} : memref<112xf32, #tpu.memory_space<vmem>>, vector<16xf32>,
      %swap3A_138 = arith.constant 96 : index
      %swap3A_139 = tpu.vector_load %arg16[%swap3A_138] {strides = array<i32>} : memref<112xf32, #tpu.memory_space<vmem>>, vector<16xf32>,
      tpu.vector_store %arg16[%swap3A_138], %broadcast_in_dim3A_74 {strides = array<i32>} : memref<112xf32, #tpu.memory_space<vmem>>, vector<16xf32>,
      %swap3A_140 = arith.constant 96 : index
      %swap3A_141 = tpu.vector_load %arg17[%swap3A_140] {strides = array<i32>} : memref<112xf32, #tpu.memory_space<vmem>>, vector<16xf32>,
      tpu.vector_store %arg17[%swap3A_140], %broadcast_in_dim3A_74 {strides = array<i32>} : memref<112xf32, #tpu.memory_space<vmem>>, vector<16xf32>,
      %swap3A_142 = arith.constant 96 : index
      %swap3A_143 = tpu.vector_load %arg18[%swap3A_142] {strides = array<i32>} : memref<112xf32, #tpu.memory_space<vmem>>, vector<16xf32>,
      tpu.vector_store %arg18[%swap3A_142], %broadcast_in_dim3A_74 {strides = array<i32>} : memref<112xf32, #tpu.memory_space<vmem>>, vector<16xf32>,
      %swap3A_144 = arith.constant 96 : index
      %swap3A_145 = tpu.vector_load %arg19[%swap3A_144] {strides = array<i32>} : memref<112xf32, #tpu.memory_space<vmem>>, vector<16xf32>,
      tpu.vector_store %arg19[%swap3A_144], %broadcast_in_dim3A_76 {strides = array<i32>} : memref<112xf32, #tpu.memory_space<vmem>>, vector<16xf32>,
      %swap3A_146 = arith.constant 0 : index
      %swap3A_147 = tpu.vector_load %arg20[%swap3A_146] {strides = array<i32>} : memref<128xi32, #tpu.memory_space<vmem>>, vector<16xi32>,
      tpu.vector_store %arg20[%swap3A_146], %broadcast_in_dim3A_72 {strides = array<i32>} : memref<128xi32, #tpu.memory_space<vmem>>, vector<16xi32>,
      %swap3A_148 = arith.constant 16 : index
      %swap3A_149 = tpu.vector_load %arg20[%swap3A_148] {strides = array<i32>} : memref<128xi32, #tpu.memory_space<vmem>>, vector<16xi32>,
      tpu.vector_store %arg20[%swap3A_148], %broadcast_in_dim3A_72 {strides = array<i32>} : memref<128xi32, #tpu.memory_space<vmem>>, vector<16xi32>,
      %swap3A_150 = arith.constant 32 : index
      %swap3A_151 = tpu.vector_load %arg20[%swap3A_150] {strides = array<i32>} : memref<128xi32, #tpu.memory_space<vmem>>, vector<16xi32>,
      tpu.vector_store %arg20[%swap3A_150], %broadcast_in_dim3A_72 {strides = array<i32>} : memref<128xi32, #tpu.memory_space<vmem>>, vector<16xi32>,
      %swap3A_152 = arith.constant 48 : index
      %swap3A_153 = tpu.vector_load %arg20[%swap3A_152] {strides = array<i32>} : memref<128xi32, #tpu.memory_space<vmem>>, vector<16xi32>,
      tpu.vector_store %arg20[%swap3A_152], %broadcast_in_dim3A_72 {strides = array<i32>} : memref<128xi32, #tpu.memory_space<vmem>>, vector<16xi32>,
      %swap3A_154 = arith.constant 64 : index
      %swap3A_155 = tpu.vector_load %arg20[%swap3A_154] {strides = array<i32>} : memref<128xi32, #tpu.memory_space<vmem>>, vector<16xi32>,
      tpu.vector_store %arg20[%swap3A_154], %broadcast_in_dim3A_72 {strides = array<i32>} : memref<128xi32, #tpu.memory_space<vmem>>, vector<16xi32>,
      %swap3A_156 = arith.constant 80 : index
      %swap3A_157 = tpu.vector_load %arg20[%swap3A_156] {strides = array<i32>} : memref<128xi32, #tpu.memory_space<vmem>>, vector<16xi32>,
      tpu.vector_store %arg20[%swap3A_156], %broadcast_in_dim3A_72 {strides = array<i32>} : memref<128xi32, #tpu.memory_space<vmem>>, vector<16xi32>,
      %swap3A_158 = arith.constant 96 : index
      %swap3A_159 = tpu.vector_load %arg20[%swap3A_158] {strides = array<i32>} : memref<128xi32, #tpu.memory_space<vmem>>, vector<16xi32>,
      tpu.vector_store %arg20[%swap3A_158], %broadcast_in_dim3A_72 {strides = array<i32>} : memref<128xi32, #tpu.memory_space<vmem>>, vector<16xi32>,
      %swap3A_160 = arith.constant 112 : index
      %swap3A_161 = tpu.vector_load %arg20[%swap3A_160] {strides = array<i32>} : memref<128xi32, #tpu.memory_space<vmem>>, vector<16xi32>,
      tpu.vector_store %arg20[%swap3A_160], %broadcast_in_dim3A_72 {strides = array<i32>} : memref<128xi32, #tpu.memory_space<vmem>>, vector<16xi32>,
      %scan3A = arith.constant 0 : i32
      %scan3A_162 = arith.constant 80 : i32
      %scan3A_163 = arith.addi %scan3A, %scan3A_162 : i32
      %scan3A_164 = arith.constant 1 : i32
      scf.for %scan3A_199 = %scan3A to %scan3A_163 step %scan3A_164  : i32 {
        %mul3A_200 = arith.constant 1 : i32
        %mul3A_201 = arith.muli %scan3A_199, %mul3A_200 : i32
        %add3A_202 = arith.constant 0 : i32
        %add3A_203 = arith.addi %add3A_202, %mul3A_201 : i32
        %mul3A_204 = arith.constant 16 : i32
        %mul3A_205 = arith.muli %add3A_203, %mul3A_204 : i32
        %get3A_206 = arith.index_cast %mul3A_205 : i32 to index
        %get3A_207 = tpu.vector_load %arg6[%get3A_206] {strides = array<i32>} : memref<20480xf32, #tpu.memory_space<vmem>>, vector<16xf32>,
        %add3A_208 = vector.broadcast %mul3A_205 : i32 to vector<16xi32>
        %add3A_209 = arith.addi %add3A_208, %iota3A : vector<16xi32>
        %add3A_210 = arith.constant 1280 : i32
        %add3A_211 = arith.addi %add3A_210, %mul3A_205 : i32
        %get3A_212 = arith.index_cast %add3A_211 : i32 to index
        %get3A_213 = tpu.vector_load %arg6[%get3A_212] {strides = array<i32>} : memref<20480xf32, #tpu.memory_space<vmem>>, vector<16xf32>,
        %add3A_214 = arith.constant 1250 : i32
        %add3A_215 = arith.addi %add3A_214, %mul3A_205 : i32
        %add3A_216 = vector.broadcast %add3A_215 : i32 to vector<16xi32>
        %add3A_217 = arith.addi %add3A_216, %iota3A : vector<16xi32>
        %gt3A = arith.cmpf ogt, %get3A_213, %get3A_207 : vector<16xf32>
        %select_n3A = arith.select %gt3A, %get3A_213, %get3A_207 : vector<16xi1>, vector<16xf32>
        %select_n3A_218 = arith.select %gt3A, %add3A_217, %add3A_209 : vector<16xi1>, vector<16xi32>
        %add3A_219 = arith.constant 2560 : i32
        %add3A_220 = arith.addi %add3A_219, %mul3A_205 : i32
        %get3A_221 = arith.index_cast %add3A_220 : i32 to index
        %get3A_222 = tpu.vector_load %arg6[%get3A_221] {strides = array<i32>} : memref<20480xf32, #tpu.memory_space<vmem>>, vector<16xf32>,
        %add3A_223 = arith.constant 2500 : i32
        %add3A_224 = arith.addi %add3A_223, %mul3A_205 : i32
        %add3A_225 = vector.broadcast %add3A_224 : i32 to vector<16xi32>
        %add3A_226 = arith.addi %add3A_225, %iota3A : vector<16xi32>
        %gt3A_227 = arith.cmpf ogt, %get3A_222, %select_n3A : vector<16xf32>
        %select_n3A_228 = arith.select %gt3A_227, %get3A_222, %select_n3A : vector<16xi1>, vector<16xf32>
        %select_n3A_229 = arith.select %gt3A_227, %add3A_226, %select_n3A_218 : vector<16xi1>, vector<16xi32>
        %add3A_230 = arith.constant 3840 : i32
        %add3A_231 = arith.addi %add3A_230, %mul3A_205 : i32
        %get3A_232 = arith.index_cast %add3A_231 : i32 to index
        %get3A_233 = tpu.vector_load %arg6[%get3A_232] {strides = array<i32>} : memref<20480xf32, #tpu.memory_space<vmem>>, vector<16xf32>,
        %add3A_234 = arith.constant 3750 : i32
        %add3A_235 = arith.addi %add3A_234, %mul3A_205 : i32
        %add3A_236 = vector.broadcast %add3A_235 : i32 to vector<16xi32>
        %add3A_237 = arith.addi %add3A_236, %iota3A : vector<16xi32>
        %gt3A_238 = arith.cmpf ogt, %get3A_233, %select_n3A_228 : vector<16xf32>
        %select_n3A_239 = arith.select %gt3A_238, %get3A_233, %select_n3A_228 : vector<16xi1>, vector<16xf32>
        %select_n3A_240 = arith.select %gt3A_238, %add3A_237, %select_n3A_229 : vector<16xi1>, vector<16xi32>
        %add3A_241 = arith.constant 5120 : i32
        %add3A_242 = arith.addi %add3A_241, %mul3A_205 : i32
        %get3A_243 = arith.index_cast %add3A_242 : i32 to index
        %get3A_244 = tpu.vector_load %arg6[%get3A_243] {strides = array<i32>} : memref<20480xf32, #tpu.memory_space<vmem>>, vector<16xf32>,
        %add3A_245 = arith.constant 5000 : i32
        %add3A_246 = arith.addi %add3A_245, %mul3A_205 : i32
        %add3A_247 = vector.broadcast %add3A_246 : i32 to vector<16xi32>
        %add3A_248 = arith.addi %add3A_247, %iota3A : vector<16xi32>
        %gt3A_249 = arith.cmpf ogt, %get3A_244, %select_n3A_239 : vector<16xf32>
        %select_n3A_250 = arith.select %gt3A_249, %get3A_244, %select_n3A_239 : vector<16xi1>, vector<16xf32>
        %select_n3A_251 = arith.select %gt3A_249, %add3A_248, %select_n3A_240 : vector<16xi1>, vector<16xi32>
        %add3A_252 = arith.constant 6400 : i32
        %add3A_253 = arith.addi %add3A_252, %mul3A_205 : i32
        %get3A_254 = arith.index_cast %add3A_253 : i32 to index
        %get3A_255 = tpu.vector_load %arg6[%get3A_254] {strides = array<i32>} : memref<20480xf32, #tpu.memory_space<vmem>>, vector<16xf32>,
        %add3A_256 = arith.constant 6250 : i32
        %add3A_257 = arith.addi %add3A_256, %mul3A_205 : i32
        %add3A_258 = vector.broadcast %add3A_257 : i32 to vector<16xi32>
        %add3A_259 = arith.addi %add3A_258, %iota3A : vector<16xi32>
        %gt3A_260 = arith.cmpf ogt, %get3A_255, %select_n3A_250 : vector<16xf32>
        %select_n3A_261 = arith.select %gt3A_260, %get3A_255, %select_n3A_250 : vector<16xi1>, vector<16xf32>
        %select_n3A_262 = arith.select %gt3A_260, %add3A_259, %select_n3A_251 : vector<16xi1>, vector<16xi32>
        %add3A_263 = arith.constant 7680 : i32
        %add3A_264 = arith.addi %add3A_263, %mul3A_205 : i32
        %get3A_265 = arith.index_cast %add3A_264 : i32 to index
        %get3A_266 = tpu.vector_load %arg6[%get3A_265] {strides = array<i32>} : memref<20480xf32, #tpu.memory_space<vmem>>, vector<16xf32>,
        %add3A_267 = arith.constant 7500 : i32
        %add3A_268 = arith.addi %add3A_267, %mul3A_205 : i32
        %add3A_269 = vector.broadcast %add3A_268 : i32 to vector<16xi32>
        %add3A_270 = arith.addi %add3A_269, %iota3A : vector<16xi32>
        %gt3A_271 = arith.cmpf ogt, %get3A_266, %select_n3A_261 : vector<16xf32>
        %select_n3A_272 = arith.select %gt3A_271, %get3A_266, %select_n3A_261 : vector<16xi1>, vector<16xf32>
        %select_n3A_273 = arith.select %gt3A_271, %add3A_270, %select_n3A_262 : vector<16xi1>, vector<16xi32>
        %add3A_274 = arith.constant 8960 : i32
        %add3A_275 = arith.addi %add3A_274, %mul3A_205 : i32
        %get3A_276 = arith.index_cast %add3A_275 : i32 to index
        %get3A_277 = tpu.vector_load %arg6[%get3A_276] {strides = array<i32>} : memref<20480xf32, #tpu.memory_space<vmem>>, vector<16xf32>,
        %add3A_278 = arith.constant 8750 : i32
        %add3A_279 = arith.addi %add3A_278, %mul3A_205 : i32
        %add3A_280 = vector.broadcast %add3A_279 : i32 to vector<16xi32>
        %add3A_281 = arith.addi %add3A_280, %iota3A : vector<16xi32>
        %gt3A_282 = arith.cmpf ogt, %get3A_277, %select_n3A_272 : vector<16xf32>
        %select_n3A_283 = arith.select %gt3A_282, %get3A_277, %select_n3A_272 : vector<16xi1>, vector<16xf32>
        %select_n3A_284 = arith.select %gt3A_282, %add3A_281, %select_n3A_273 : vector<16xi1>, vector<16xi32>
        %add3A_285 = arith.constant 10240 : i32
        %add3A_286 = arith.addi %add3A_285, %mul3A_205 : i32
        %get3A_287 = arith.index_cast %add3A_286 : i32 to index
        %get3A_288 = tpu.vector_load %arg6[%get3A_287] {strides = array<i32>} : memref<20480xf32, #tpu.memory_space<vmem>>, vector<16xf32>,
        %add3A_289 = arith.constant 10000 : i32
        %add3A_290 = arith.addi %add3A_289, %mul3A_205 : i32
        %add3A_291 = vector.broadcast %add3A_290 : i32 to vector<16xi32>
        %add3A_292 = arith.addi %add3A_291, %iota3A : vector<16xi32>
        %gt3A_293 = arith.cmpf ogt, %get3A_288, %select_n3A_283 : vector<16xf32>
        %select_n3A_294 = arith.select %gt3A_293, %get3A_288, %select_n3A_283 : vector<16xi1>, vector<16xf32>
        %select_n3A_295 = arith.select %gt3A_293, %add3A_292, %select_n3A_284 : vector<16xi1>, vector<16xi32>
        %add3A_296 = arith.constant 11520 : i32
        %add3A_297 = arith.addi %add3A_296, %mul3A_205 : i32
        %get3A_298 = arith.index_cast %add3A_297 : i32 to index
        %get3A_299 = tpu.vector_load %arg6[%get3A_298] {strides = array<i32>} : memref<20480xf32, #tpu.memory_space<vmem>>, vector<16xf32>,
        %add3A_300 = arith.constant 11250 : i32
        %add3A_301 = arith.addi %add3A_300, %mul3A_205 : i32
        %add3A_302 = vector.broadcast %add3A_301 : i32 to vector<16xi32>
        %add3A_303 = arith.addi %add3A_302, %iota3A : vector<16xi32>
        %gt3A_304 = arith.cmpf ogt, %get3A_299, %select_n3A_294 : vector<16xf32>
        %select_n3A_305 = arith.select %gt3A_304, %get3A_299, %select_n3A_294 : vector<16xi1>, vector<16xf32>
        %select_n3A_306 = arith.select %gt3A_304, %add3A_303, %select_n3A_295 : vector<16xi1>, vector<16xi32>
        %add3A_307 = arith.constant 12800 : i32
        %add3A_308 = arith.addi %add3A_307, %mul3A_205 : i32
        %get3A_309 = arith.index_cast %add3A_308 : i32 to index
        %get3A_310 = tpu.vector_load %arg6[%get3A_309] {strides = array<i32>} : memref<20480xf32, #tpu.memory_space<vmem>>, vector<16xf32>,
        %add3A_311 = arith.constant 12500 : i32
        %add3A_312 = arith.addi %add3A_311, %mul3A_205 : i32
        %add3A_313 = vector.broadcast %add3A_312 : i32 to vector<16xi32>
        %add3A_314 = arith.addi %add3A_313, %iota3A : vector<16xi32>
        %gt3A_315 = arith.cmpf ogt, %get3A_310, %select_n3A_305 : vector<16xf32>
        %select_n3A_316 = arith.select %gt3A_315, %get3A_310, %select_n3A_305 : vector<16xi1>, vector<16xf32>
        %select_n3A_317 = arith.select %gt3A_315, %add3A_314, %select_n3A_306 : vector<16xi1>, vector<16xi32>
        %add3A_318 = arith.constant 14080 : i32
        %add3A_319 = arith.addi %add3A_318, %mul3A_205 : i32
        %get3A_320 = arith.index_cast %add3A_319 : i32 to index
        %get3A_321 = tpu.vector_load %arg6[%get3A_320] {strides = array<i32>} : memref<20480xf32, #tpu.memory_space<vmem>>, vector<16xf32>,
        %add3A_322 = arith.constant 13750 : i32
        %add3A_323 = arith.addi %add3A_322, %mul3A_205 : i32
        %add3A_324 = vector.broadcast %add3A_323 : i32 to vector<16xi32>
        %add3A_325 = arith.addi %add3A_324, %iota3A : vector<16xi32>
        %gt3A_326 = arith.cmpf ogt, %get3A_321, %select_n3A_316 : vector<16xf32>
        %select_n3A_327 = arith.select %gt3A_326, %get3A_321, %select_n3A_316 : vector<16xi1>, vector<16xf32>
        %select_n3A_328 = arith.select %gt3A_326, %add3A_325, %select_n3A_317 : vector<16xi1>, vector<16xi32>
        %add3A_329 = arith.constant 15360 : i32
        %add3A_330 = arith.addi %add3A_329, %mul3A_205 : i32
        %get3A_331 = arith.index_cast %add3A_330 : i32 to index
        %get3A_332 = tpu.vector_load %arg6[%get3A_331] {strides = array<i32>} : memref<20480xf32, #tpu.memory_space<vmem>>, vector<16xf32>,
        %add3A_333 = arith.constant 15000 : i32
        %add3A_334 = arith.addi %add3A_333, %mul3A_205 : i32
        %add3A_335 = vector.broadcast %add3A_334 : i32 to vector<16xi32>
        %add3A_336 = arith.addi %add3A_335, %iota3A : vector<16xi32>
        %gt3A_337 = arith.cmpf ogt, %get3A_332, %select_n3A_327 : vector<16xf32>
        %select_n3A_338 = arith.select %gt3A_337, %get3A_332, %select_n3A_327 : vector<16xi1>, vector<16xf32>
        %select_n3A_339 = arith.select %gt3A_337, %add3A_336, %select_n3A_328 : vector<16xi1>, vector<16xi32>
        %add3A_340 = arith.constant 16640 : i32
        %add3A_341 = arith.addi %add3A_340, %mul3A_205 : i32
        %get3A_342 = arith.index_cast %add3A_341 : i32 to index
        %get3A_343 = tpu.vector_load %arg6[%get3A_342] {strides = array<i32>} : memref<20480xf32, #tpu.memory_space<vmem>>, vector<16xf32>,
        %add3A_344 = arith.constant 16250 : i32
        %add3A_345 = arith.addi %add3A_344, %mul3A_205 : i32
        %add3A_346 = vector.broadcast %add3A_345 : i32 to vector<16xi32>
        %add3A_347 = arith.addi %add3A_346, %iota3A : vector<16xi32>
        %gt3A_348 = arith.cmpf ogt, %get3A_343, %select_n3A_338 : vector<16xf32>
        %select_n3A_349 = arith.select %gt3A_348, %get3A_343, %select_n3A_338 : vector<16xi1>, vector<16xf32>
        %select_n3A_350 = arith.select %gt3A_348, %add3A_347, %select_n3A_339 : vector<16xi1>, vector<16xi32>
        %add3A_351 = arith.constant 17920 : i32
        %add3A_352 = arith.addi %add3A_351, %mul3A_205 : i32
        %get3A_353 = arith.index_cast %add3A_352 : i32 to index
        %get3A_354 = tpu.vector_load %arg6[%get3A_353] {strides = array<i32>} : memref<20480xf32, #tpu.memory_space<vmem>>, vector<16xf32>,
        %add3A_355 = arith.constant 17500 : i32
        %add3A_356 = arith.addi %add3A_355, %mul3A_205 : i32
        %add3A_357 = vector.broadcast %add3A_356 : i32 to vector<16xi32>
        %add3A_358 = arith.addi %add3A_357, %iota3A : vector<16xi32>
        %gt3A_359 = arith.cmpf ogt, %get3A_354, %select_n3A_349 : vector<16xf32>
        %select_n3A_360 = arith.select %gt3A_359, %get3A_354, %select_n3A_349 : vector<16xi1>, vector<16xf32>
        %select_n3A_361 = arith.select %gt3A_359, %add3A_358, %select_n3A_350 : vector<16xi1>, vector<16xi32>
        %add3A_362 = arith.constant 19200 : i32
        %add3A_363 = arith.addi %add3A_362, %mul3A_205 : i32
        %get3A_364 = arith.index_cast %add3A_363 : i32 to index
        %get3A_365 = tpu.vector_load %arg6[%get3A_364] {strides = array<i32>} : memref<20480xf32, #tpu.memory_space<vmem>>, vector<16xf32>,
        %add3A_366 = arith.constant 18750 : i32
        %add3A_367 = arith.addi %add3A_366, %mul3A_205 : i32
        %add3A_368 = vector.broadcast %add3A_367 : i32 to vector<16xi32>
        %add3A_369 = arith.addi %add3A_368, %iota3A : vector<16xi32>
        %gt3A_370 = arith.cmpf ogt, %get3A_365, %select_n3A_360 : vector<16xf32>
        %select_n3A_371 = arith.select %gt3A_370, %get3A_365, %select_n3A_360 : vector<16xi1>, vector<16xf32>
        %select_n3A_372 = arith.select %gt3A_370, %add3A_369, %select_n3A_361 : vector<16xi1>, vector<16xi32>
        %swap3A_373 = arith.index_cast %mul3A_205 : i32 to index
        %swap3A_374 = tpu.vector_load %arg11[%swap3A_373] {strides = array<i32>} : memref<1280xf32, #tpu.memory_space<vmem>>, vector<16xf32>,
        tpu.vector_store %arg11[%swap3A_373], %select_n3A_371 {strides = array<i32>} : memref<1280xf32, #tpu.memory_space<vmem>>, vector<16xf32>,
        %swap3A_375 = arith.index_cast %mul3A_205 : i32 to index
        %swap3A_376 = tpu.vector_load %arg12[%swap3A_375] {strides = array<i32>} : memref<1280xi32, #tpu.memory_space<vmem>>, vector<16xi32>,
        tpu.vector_store %arg12[%swap3A_375], %select_n3A_372 {strides = array<i32>} : memref<1280xi32, #tpu.memory_space<vmem>>, vector<16xi32>,
      }
      %scan3A_165 = arith.constant 80 : i32
      %scan3A_166 = arith.constant 0 : i32
      %scan3A_167 = arith.constant 5 : i32
      %scan3A_168 = arith.addi %scan3A_166, %scan3A_167 : i32
      %scan3A_169 = arith.constant 1 : i32
      scf.for %scan3A_199 = %scan3A_166 to %scan3A_168 step %scan3A_169  : i32 {
        %mul3A_200 = arith.constant 1 : i32
        %mul3A_201 = arith.muli %scan3A_199, %mul3A_200 : i32
        %add3A_202 = arith.constant 0 : i32
        %add3A_203 = arith.addi %add3A_202, %mul3A_201 : i32
        %mul3A_204 = arith.constant 16 : i32
        %mul3A_205 = arith.muli %add3A_203, %mul3A_204 : i32
        %get3A_206 = arith.index_cast %mul3A_205 : i32 to index
        %get3A_207 = tpu.vector_load %arg11[%get3A_206] {strides = array<i32>} : memref<1280xf32, #tpu.memory_space<vmem>>, vector<16xf32>,
        %get3A_208 = arith.index_cast %mul3A_205 : i32 to index
        %get3A_209 = tpu.vector_load %arg12[%get3A_208] {strides = array<i32>} : memref<1280xi32, #tpu.memory_space<vmem>>, vector<16xi32>,
        %add3A_210 = arith.constant 80 : i32
        %add3A_211 = arith.addi %add3A_210, %mul3A_205 : i32
        %get3A_212 = arith.index_cast %add3A_211 : i32 to index
        %get3A_213 = tpu.vector_load %arg11[%get3A_212] {strides = array<i32>} : memref<1280xf32, #tpu.memory_space<vmem>>, vector<16xf32>,
        %add3A_214 = arith.constant 80 : i32
        %add3A_215 = arith.addi %add3A_214, %mul3A_205 : i32
        %get3A_216 = arith.index_cast %add3A_215 : i32 to index
        %get3A_217 = tpu.vector_load %arg12[%get3A_216] {strides = array<i32>} : memref<1280xi32, #tpu.memory_space<vmem>>, vector<16xi32>,
        %gt3A = arith.cmpf ogt, %get3A_213, %get3A_207 : vector<16xf32>
        %eq3A_218 = arith.cmpf oeq, %get3A_213, %get3A_207 : vector<16xf32>
        %lt3A_219 = arith.cmpi slt, %get3A_217, %get3A_209 : vector<16xi32>
        %and3A = arith.andi %eq3A_218, %lt3A_219 : vector<16xi1>
        %or3A = arith.ori %gt3A, %and3A : vector<16xi1>
        %select_n3A = arith.select %or3A, %get3A_213, %get3A_207 : vector<16xi1>, vector<16xf32>
        %select_n3A_220 = arith.select %or3A, %get3A_217, %get3A_209 : vector<16xi1>, vector<16xi32>
        %add3A_221 = arith.constant 160 : i32
        %add3A_222 = arith.addi %add3A_221, %mul3A_205 : i32
        %get3A_223 = arith.index_cast %add3A_222 : i32 to index
        %get3A_224 = tpu.vector_load %arg11[%get3A_223] {strides = array<i32>} : memref<1280xf32, #tpu.memory_space<vmem>>, vector<16xf32>,
        %add3A_225 = arith.constant 160 : i32
        %add3A_226 = arith.addi %add3A_225, %mul3A_205 : i32
        %get3A_227 = arith.index_cast %add3A_226 : i32 to index
        %get3A_228 = tpu.vector_load %arg12[%get3A_227] {strides = array<i32>} : memref<1280xi32, #tpu.memory_space<vmem>>, vector<16xi32>,
        %gt3A_229 = arith.cmpf ogt, %get3A_224, %select_n3A : vector<16xf32>
        %eq3A_230 = arith.cmpf oeq, %get3A_224, %select_n3A : vector<16xf32>
        %lt3A_231 = arith.cmpi slt, %get3A_228, %select_n3A_220 : vector<16xi32>
        %and3A_232 = arith.andi %eq3A_230, %lt3A_231 : vector<16xi1>
        %or3A_233 = arith.ori %gt3A_229, %and3A_232 : vector<16xi1>
        %select_n3A_234 = arith.select %or3A_233, %get3A_224, %select_n3A : vector<16xi1>, vector<16xf32>
        %select_n3A_235 = arith.select %or3A_233, %get3A_228, %select_n3A_220 : vector<16xi1>, vector<16xi32>
        %add3A_236 = arith.constant 240 : i32
        %add3A_237 = arith.addi %add3A_236, %mul3A_205 : i32
        %get3A_238 = arith.index_cast %add3A_237 : i32 to index
        %get3A_239 = tpu.vector_load %arg11[%get3A_238] {strides = array<i32>} : memref<1280xf32, #tpu.memory_space<vmem>>, vector<16xf32>,
        %add3A_240 = arith.constant 240 : i32
        %add3A_241 = arith.addi %add3A_240, %mul3A_205 : i32
        %get3A_242 = arith.index_cast %add3A_241 : i32 to index
        %get3A_243 = tpu.vector_load %arg12[%get3A_242] {strides = array<i32>} : memref<1280xi32, #tpu.memory_space<vmem>>, vector<16xi32>,
        %gt3A_244 = arith.cmpf ogt, %get3A_239, %select_n3A_234 : vector<16xf32>
        %eq3A_245 = arith.cmpf oeq, %get3A_239, %select_n3A_234 : vector<16xf32>
        %lt3A_246 = arith.cmpi slt, %get3A_243, %select_n3A_235 : vector<16xi32>
        %and3A_247 = arith.andi %eq3A_245, %lt3A_246 : vector<16xi1>
        %or3A_248 = arith.ori %gt3A_244, %and3A_247 : vector<16xi1>
        %select_n3A_249 = arith.select %or3A_248, %get3A_239, %select_n3A_234 : vector<16xi1>, vector<16xf32>
        %select_n3A_250 = arith.select %or3A_248, %get3A_243, %select_n3A_235 : vector<16xi1>, vector<16xi32>
        %add3A_251 = arith.constant 320 : i32
        %add3A_252 = arith.addi %add3A_251, %mul3A_205 : i32
        %get3A_253 = arith.index_cast %add3A_252 : i32 to index
        %get3A_254 = tpu.vector_load %arg11[%get3A_253] {strides = array<i32>} : memref<1280xf32, #tpu.memory_space<vmem>>, vector<16xf32>,
        %add3A_255 = arith.constant 320 : i32
        %add3A_256 = arith.addi %add3A_255, %mul3A_205 : i32
        %get3A_257 = arith.index_cast %add3A_256 : i32 to index
        %get3A_258 = tpu.vector_load %arg12[%get3A_257] {strides = array<i32>} : memref<1280xi32, #tpu.memory_space<vmem>>, vector<16xi32>,
        %gt3A_259 = arith.cmpf ogt, %get3A_254, %select_n3A_249 : vector<16xf32>
        %eq3A_260 = arith.cmpf oeq, %get3A_254, %select_n3A_249 : vector<16xf32>
        %lt3A_261 = arith.cmpi slt, %get3A_258, %select_n3A_250 : vector<16xi32>
        %and3A_262 = arith.andi %eq3A_260, %lt3A_261 : vector<16xi1>
        %or3A_263 = arith.ori %gt3A_259, %and3A_262 : vector<16xi1>
        %select_n3A_264 = arith.select %or3A_263, %get3A_254, %select_n3A_249 : vector<16xi1>, vector<16xf32>
        %select_n3A_265 = arith.select %or3A_263, %get3A_258, %select_n3A_250 : vector<16xi1>, vector<16xi32>
        %add3A_266 = arith.constant 400 : i32
        %add3A_267 = arith.addi %add3A_266, %mul3A_205 : i32
        %get3A_268 = arith.index_cast %add3A_267 : i32 to index
        %get3A_269 = tpu.vector_load %arg11[%get3A_268] {strides = array<i32>} : memref<1280xf32, #tpu.memory_space<vmem>>, vector<16xf32>,
        %add3A_270 = arith.constant 400 : i32
        %add3A_271 = arith.addi %add3A_270, %mul3A_205 : i32
        %get3A_272 = arith.index_cast %add3A_271 : i32 to index
        %get3A_273 = tpu.vector_load %arg12[%get3A_272] {strides = array<i32>} : memref<1280xi32, #tpu.memory_space<vmem>>, vector<16xi32>,
        %gt3A_274 = arith.cmpf ogt, %get3A_269, %select_n3A_264 : vector<16xf32>
        %eq3A_275 = arith.cmpf oeq, %get3A_269, %select_n3A_264 : vector<16xf32>
        %lt3A_276 = arith.cmpi slt, %get3A_273, %select_n3A_265 : vector<16xi32>
        %and3A_277 = arith.andi %eq3A_275, %lt3A_276 : vector<16xi1>
        %or3A_278 = arith.ori %gt3A_274, %and3A_277 : vector<16xi1>
        %select_n3A_279 = arith.select %or3A_278, %get3A_269, %select_n3A_264 : vector<16xi1>, vector<16xf32>
        %select_n3A_280 = arith.select %or3A_278, %get3A_273, %select_n3A_265 : vector<16xi1>, vector<16xi32>
        %add3A_281 = arith.constant 480 : i32
        %add3A_282 = arith.addi %add3A_281, %mul3A_205 : i32
        %get3A_283 = arith.index_cast %add3A_282 : i32 to index
        %get3A_284 = tpu.vector_load %arg11[%get3A_283] {strides = array<i32>} : memref<1280xf32, #tpu.memory_space<vmem>>, vector<16xf32>,
        %add3A_285 = arith.constant 480 : i32
        %add3A_286 = arith.addi %add3A_285, %mul3A_205 : i32
        %get3A_287 = arith.index_cast %add3A_286 : i32 to index
        %get3A_288 = tpu.vector_load %arg12[%get3A_287] {strides = array<i32>} : memref<1280xi32, #tpu.memory_space<vmem>>, vector<16xi32>,
        %gt3A_289 = arith.cmpf ogt, %get3A_284, %select_n3A_279 : vector<16xf32>
        %eq3A_290 = arith.cmpf oeq, %get3A_284, %select_n3A_279 : vector<16xf32>
        %lt3A_291 = arith.cmpi slt, %get3A_288, %select_n3A_280 : vector<16xi32>
        %and3A_292 = arith.andi %eq3A_290, %lt3A_291 : vector<16xi1>
        %or3A_293 = arith.ori %gt3A_289, %and3A_292 : vector<16xi1>
        %select_n3A_294 = arith.select %or3A_293, %get3A_284, %select_n3A_279 : vector<16xi1>, vector<16xf32>
        %select_n3A_295 = arith.select %or3A_293, %get3A_288, %select_n3A_280 : vector<16xi1>, vector<16xi32>
        %add3A_296 = arith.constant 560 : i32
        %add3A_297 = arith.addi %add3A_296, %mul3A_205 : i32
        %get3A_298 = arith.index_cast %add3A_297 : i32 to index
        %get3A_299 = tpu.vector_load %arg11[%get3A_298] {strides = array<i32>} : memref<1280xf32, #tpu.memory_space<vmem>>, vector<16xf32>,
        %add3A_300 = arith.constant 560 : i32
        %add3A_301 = arith.addi %add3A_300, %mul3A_205 : i32
        %get3A_302 = arith.index_cast %add3A_301 : i32 to index
        %get3A_303 = tpu.vector_load %arg12[%get3A_302] {strides = array<i32>} : memref<1280xi32, #tpu.memory_space<vmem>>, vector<16xi32>,
        %gt3A_304 = arith.cmpf ogt, %get3A_299, %select_n3A_294 : vector<16xf32>
        %eq3A_305 = arith.cmpf oeq, %get3A_299, %select_n3A_294 : vector<16xf32>
        %lt3A_306 = arith.cmpi slt, %get3A_303, %select_n3A_295 : vector<16xi32>
        %and3A_307 = arith.andi %eq3A_305, %lt3A_306 : vector<16xi1>
        %or3A_308 = arith.ori %gt3A_304, %and3A_307 : vector<16xi1>
        %select_n3A_309 = arith.select %or3A_308, %get3A_299, %select_n3A_294 : vector<16xi1>, vector<16xf32>
        %select_n3A_310 = arith.select %or3A_308, %get3A_303, %select_n3A_295 : vector<16xi1>, vector<16xi32>
        %add3A_311 = arith.constant 640 : i32
        %add3A_312 = arith.addi %add3A_311, %mul3A_205 : i32
        %get3A_313 = arith.index_cast %add3A_312 : i32 to index
        %get3A_314 = tpu.vector_load %arg11[%get3A_313] {strides = array<i32>} : memref<1280xf32, #tpu.memory_space<vmem>>, vector<16xf32>,
        %add3A_315 = arith.constant 640 : i32
        %add3A_316 = arith.addi %add3A_315, %mul3A_205 : i32
        %get3A_317 = arith.index_cast %add3A_316 : i32 to index
        %get3A_318 = tpu.vector_load %arg12[%get3A_317] {strides = array<i32>} : memref<1280xi32, #tpu.memory_space<vmem>>, vector<16xi32>,
        %gt3A_319 = arith.cmpf ogt, %get3A_314, %select_n3A_309 : vector<16xf32>
        %eq3A_320 = arith.cmpf oeq, %get3A_314, %select_n3A_309 : vector<16xf32>
        %lt3A_321 = arith.cmpi slt, %get3A_318, %select_n3A_310 : vector<16xi32>
        %and3A_322 = arith.andi %eq3A_320, %lt3A_321 : vector<16xi1>
        %or3A_323 = arith.ori %gt3A_319, %and3A_322 : vector<16xi1>
        %select_n3A_324 = arith.select %or3A_323, %get3A_314, %select_n3A_309 : vector<16xi1>, vector<16xf32>
        %select_n3A_325 = arith.select %or3A_323, %get3A_318, %select_n3A_310 : vector<16xi1>, vector<16xi32>
        %add3A_326 = arith.constant 720 : i32
        %add3A_327 = arith.addi %add3A_326, %mul3A_205 : i32
        %get3A_328 = arith.index_cast %add3A_327 : i32 to index
        %get3A_329 = tpu.vector_load %arg11[%get3A_328] {strides = array<i32>} : memref<1280xf32, #tpu.memory_space<vmem>>, vector<16xf32>,
        %add3A_330 = arith.constant 720 : i32
        %add3A_331 = arith.addi %add3A_330, %mul3A_205 : i32
        %get3A_332 = arith.index_cast %add3A_331 : i32 to index
        %get3A_333 = tpu.vector_load %arg12[%get3A_332] {strides = array<i32>} : memref<1280xi32, #tpu.memory_space<vmem>>, vector<16xi32>,
        %gt3A_334 = arith.cmpf ogt, %get3A_329, %select_n3A_324 : vector<16xf32>
        %eq3A_335 = arith.cmpf oeq, %get3A_329, %select_n3A_324 : vector<16xf32>
        %lt3A_336 = arith.cmpi slt, %get3A_333, %select_n3A_325 : vector<16xi32>
        %and3A_337 = arith.andi %eq3A_335, %lt3A_336 : vector<16xi1>
        %or3A_338 = arith.ori %gt3A_334, %and3A_337 : vector<16xi1>
        %select_n3A_339 = arith.select %or3A_338, %get3A_329, %select_n3A_324 : vector<16xi1>, vector<16xf32>
        %select_n3A_340 = arith.select %or3A_338, %get3A_333, %select_n3A_325 : vector<16xi1>, vector<16xi32>
        %add3A_341 = arith.constant 800 : i32
        %add3A_342 = arith.addi %add3A_341, %mul3A_205 : i32
        %get3A_343 = arith.index_cast %add3A_342 : i32 to index
        %get3A_344 = tpu.vector_load %arg11[%get3A_343] {strides = array<i32>} : memref<1280xf32, #tpu.memory_space<vmem>>, vector<16xf32>,
        %add3A_345 = arith.constant 800 : i32
        %add3A_346 = arith.addi %add3A_345, %mul3A_205 : i32
        %get3A_347 = arith.index_cast %add3A_346 : i32 to index
        %get3A_348 = tpu.vector_load %arg12[%get3A_347] {strides = array<i32>} : memref<1280xi32, #tpu.memory_space<vmem>>, vector<16xi32>,
        %gt3A_349 = arith.cmpf ogt, %get3A_344, %select_n3A_339 : vector<16xf32>
        %eq3A_350 = arith.cmpf oeq, %get3A_344, %select_n3A_339 : vector<16xf32>
        %lt3A_351 = arith.cmpi slt, %get3A_348, %select_n3A_340 : vector<16xi32>
        %and3A_352 = arith.andi %eq3A_350, %lt3A_351 : vector<16xi1>
        %or3A_353 = arith.ori %gt3A_349, %and3A_352 : vector<16xi1>
        %select_n3A_354 = arith.select %or3A_353, %get3A_344, %select_n3A_339 : vector<16xi1>, vector<16xf32>
        %select_n3A_355 = arith.select %or3A_353, %get3A_348, %select_n3A_340 : vector<16xi1>, vector<16xi32>
        %add3A_356 = arith.constant 880 : i32
        %add3A_357 = arith.addi %add3A_356, %mul3A_205 : i32
        %get3A_358 = arith.index_cast %add3A_357 : i32 to index
        %get3A_359 = tpu.vector_load %arg11[%get3A_358] {strides = array<i32>} : memref<1280xf32, #tpu.memory_space<vmem>>, vector<16xf32>,
        %add3A_360 = arith.constant 880 : i32
        %add3A_361 = arith.addi %add3A_360, %mul3A_205 : i32
        %get3A_362 = arith.index_cast %add3A_361 : i32 to index
        %get3A_363 = tpu.vector_load %arg12[%get3A_362] {strides = array<i32>} : memref<1280xi32, #tpu.memory_space<vmem>>, vector<16xi32>,
        %gt3A_364 = arith.cmpf ogt, %get3A_359, %select_n3A_354 : vector<16xf32>
        %eq3A_365 = arith.cmpf oeq, %get3A_359, %select_n3A_354 : vector<16xf32>
        %lt3A_366 = arith.cmpi slt, %get3A_363, %select_n3A_355 : vector<16xi32>
        %and3A_367 = arith.andi %eq3A_365, %lt3A_366 : vector<16xi1>
        %or3A_368 = arith.ori %gt3A_364, %and3A_367 : vector<16xi1>
        %select_n3A_369 = arith.select %or3A_368, %get3A_359, %select_n3A_354 : vector<16xi1>, vector<16xf32>
        %select_n3A_370 = arith.select %or3A_368, %get3A_363, %select_n3A_355 : vector<16xi1>, vector<16xi32>
        %add3A_371 = arith.constant 960 : i32
        %add3A_372 = arith.addi %add3A_371, %mul3A_205 : i32
        %get3A_373 = arith.index_cast %add3A_372 : i32 to index
        %get3A_374 = tpu.vector_load %arg11[%get3A_373] {strides = array<i32>} : memref<1280xf32, #tpu.memory_space<vmem>>, vector<16xf32>,
        %add3A_375 = arith.constant 960 : i32
        %add3A_376 = arith.addi %add3A_375, %mul3A_205 : i32
        %get3A_377 = arith.index_cast %add3A_376 : i32 to index
        %get3A_378 = tpu.vector_load %arg12[%get3A_377] {strides = array<i32>} : memref<1280xi32, #tpu.memory_space<vmem>>, vector<16xi32>,
        %gt3A_379 = arith.cmpf ogt, %get3A_374, %select_n3A_369 : vector<16xf32>
        %eq3A_380 = arith.cmpf oeq, %get3A_374, %select_n3A_369 : vector<16xf32>
        %lt3A_381 = arith.cmpi slt, %get3A_378, %select_n3A_370 : vector<16xi32>
        %and3A_382 = arith.andi %eq3A_380, %lt3A_381 : vector<16xi1>
        %or3A_383 = arith.ori %gt3A_379, %and3A_382 : vector<16xi1>
        %select_n3A_384 = arith.select %or3A_383, %get3A_374, %select_n3A_369 : vector<16xi1>, vector<16xf32>
        %select_n3A_385 = arith.select %or3A_383, %get3A_378, %select_n3A_370 : vector<16xi1>, vector<16xi32>
        %add3A_386 = arith.constant 1040 : i32
        %add3A_387 = arith.addi %add3A_386, %mul3A_205 : i32
        %get3A_388 = arith.index_cast %add3A_387 : i32 to index
        %get3A_389 = tpu.vector_load %arg11[%get3A_388] {strides = array<i32>} : memref<1280xf32, #tpu.memory_space<vmem>>, vector<16xf32>,
        %add3A_390 = arith.constant 1040 : i32
        %add3A_391 = arith.addi %add3A_390, %mul3A_205 : i32
        %get3A_392 = arith.index_cast %add3A_391 : i32 to index
        %get3A_393 = tpu.vector_load %arg12[%get3A_392] {strides = array<i32>} : memref<1280xi32, #tpu.memory_space<vmem>>, vector<16xi32>,
        %gt3A_394 = arith.cmpf ogt, %get3A_389, %select_n3A_384 : vector<16xf32>
        %eq3A_395 = arith.cmpf oeq, %get3A_389, %select_n3A_384 : vector<16xf32>
        %lt3A_396 = arith.cmpi slt, %get3A_393, %select_n3A_385 : vector<16xi32>
        %and3A_397 = arith.andi %eq3A_395, %lt3A_396 : vector<16xi1>
        %or3A_398 = arith.ori %gt3A_394, %and3A_397 : vector<16xi1>
        %select_n3A_399 = arith.select %or3A_398, %get3A_389, %select_n3A_384 : vector<16xi1>, vector<16xf32>
        %select_n3A_400 = arith.select %or3A_398, %get3A_393, %select_n3A_385 : vector<16xi1>, vector<16xi32>
        %add3A_401 = arith.constant 1120 : i32
        %add3A_402 = arith.addi %add3A_401, %mul3A_205 : i32
        %get3A_403 = arith.index_cast %add3A_402 : i32 to index
        %get3A_404 = tpu.vector_load %arg11[%get3A_403] {strides = array<i32>} : memref<1280xf32, #tpu.memory_space<vmem>>, vector<16xf32>,
        %add3A_405 = arith.constant 1120 : i32
        %add3A_406 = arith.addi %add3A_405, %mul3A_205 : i32
        %get3A_407 = arith.index_cast %add3A_406 : i32 to index
        %get3A_408 = tpu.vector_load %arg12[%get3A_407] {strides = array<i32>} : memref<1280xi32, #tpu.memory_space<vmem>>, vector<16xi32>,
        %gt3A_409 = arith.cmpf ogt, %get3A_404, %select_n3A_399 : vector<16xf32>
        %eq3A_410 = arith.cmpf oeq, %get3A_404, %select_n3A_399 : vector<16xf32>
        %lt3A_411 = arith.cmpi slt, %get3A_408, %select_n3A_400 : vector<16xi32>
        %and3A_412 = arith.andi %eq3A_410, %lt3A_411 : vector<16xi1>
        %or3A_413 = arith.ori %gt3A_409, %and3A_412 : vector<16xi1>
        %select_n3A_414 = arith.select %or3A_413, %get3A_404, %select_n3A_399 : vector<16xi1>, vector<16xf32>
        %select_n3A_415 = arith.select %or3A_413, %get3A_408, %select_n3A_400 : vector<16xi1>, vector<16xi32>
        %add3A_416 = arith.constant 1200 : i32
        %add3A_417 = arith.addi %add3A_416, %mul3A_205 : i32
        %get3A_418 = arith.index_cast %add3A_417 : i32 to index
        %get3A_419 = tpu.vector_load %arg11[%get3A_418] {strides = array<i32>} : memref<1280xf32, #tpu.memory_space<vmem>>, vector<16xf32>,
        %add3A_420 = arith.constant 1200 : i32
        %add3A_421 = arith.addi %add3A_420, %mul3A_205 : i32
        %get3A_422 = arith.index_cast %add3A_421 : i32 to index
        %get3A_423 = tpu.vector_load %arg12[%get3A_422] {strides = array<i32>} : memref<1280xi32, #tpu.memory_space<vmem>>, vector<16xi32>,
        %gt3A_424 = arith.cmpf ogt, %get3A_419, %select_n3A_414 : vector<16xf32>
        %eq3A_425 = arith.cmpf oeq, %get3A_419, %select_n3A_414 : vector<16xf32>
        %lt3A_426 = arith.cmpi slt, %get3A_423, %select_n3A_415 : vector<16xi32>
        %and3A_427 = arith.andi %eq3A_425, %lt3A_426 : vector<16xi1>
        %or3A_428 = arith.ori %gt3A_424, %and3A_427 : vector<16xi1>
        %select_n3A_429 = arith.select %or3A_428, %get3A_419, %select_n3A_414 : vector<16xi1>, vector<16xf32>
        %select_n3A_430 = arith.select %or3A_428, %get3A_423, %select_n3A_415 : vector<16xi1>, vector<16xi32>
        %swap3A_431 = arith.index_cast %mul3A_205 : i32 to index
        %swap3A_432 = tpu.vector_load %arg13[%swap3A_431] {strides = array<i32>} : memref<80xf32, #tpu.memory_space<vmem>>, vector<16xf32>,
        tpu.vector_store %arg13[%swap3A_431], %select_n3A_429 {strides = array<i32>} : memref<80xf32, #tpu.memory_space<vmem>>, vector<16xf32>,
        %swap3A_433 = arith.index_cast %mul3A_205 : i32 to index
        %swap3A_434 = tpu.vector_load %arg14[%swap3A_433] {strides = array<i32>} : memref<80xi32, #tpu.memory_space<vmem>>, vector<16xi32>,
        tpu.vector_store %arg14[%swap3A_433], %select_n3A_430 {strides = array<i32>} : memref<80xi32, #tpu.memory_space<vmem>>, vector<16xi32>,
      }
      %scan3A_170 = arith.constant 5 : i32
      %get3A = arith.constant 0 : index
      %get3A_171 = tpu.vector_load %arg21[%get3A] {strides = array<i32>} : memref<16xf32, #tpu.memory_space<vmem>>, vector<16xf32>,
      %reduce_max3A = arith.constant true
      %reduce_max3A_172 = vector.broadcast %reduce_max3A : i1 to vector<16xi1>
      %reduce_max3A_173 = tpu.scan <max>, %get3A_171 masked %reduce_max3A_172 : vector<16xf32>, vector<16xi1> -> vector<16xf32>
      %reduce_max3A_174 = vector.extract %reduce_max3A_173[15] : f32 from vector<16xf32>
      %mul3A = arith.constant 1280 : i32
      %mul3A_175 = vector.broadcast %mul3A : i32 to vector<16xi32>
      %mul3A_176 = arith.muli %iota3A, %mul3A_175 : vector<16xi32>
      %mul3A_177 = arith.constant 1250 : i32
      %mul3A_178 = vector.broadcast %mul3A_177 : i32 to vector<16xi32>
      %mul3A_179 = arith.muli %iota3A, %mul3A_178 : vector<16xi32>
      %mul3A_180 = arith.constant 80 : i32
      %mul3A_181 = vector.broadcast %mul3A_180 : i32 to vector<16xi32>
      %mul3A_182 = arith.muli %iota3A, %mul3A_181 : vector<16xi32>
      %while3A = arith.constant 0 : i32
      %while3A_183 = arith.constant false
      %while3A_184:2 = scf.while (%while3A_199 = %while3A, %while3A_200 = %while3A_183) : (i32, i1) -> (i32, i1) {
        %lt3A_201 = arith.constant 100 : i32
        %lt3A_202 = arith.cmpi slt, %while3A_199, %lt3A_201 : i32
        %not3A = arith.constant true
        %not3A_203 = arith.xori %while3A_200, %not3A : i1
        %and3A = arith.andi %lt3A_202, %not3A_203 : i1
        scf.condition(%and3A) %while3A_199, %while3A_200 : i32, i1
      } do {
      ^bb0(%while3A_199: i32, %while3A_200: i1):
        %get3A_201 = arith.constant 0 : index
        %get3A_202 = tpu.vector_load %arg13[%get3A_201] {strides = array<i32>} : memref<80xf32, #tpu.memory_space<vmem>>, vector<16xf32>,
        %get3A_203 = arith.constant 0 : index
        %get3A_204 = tpu.vector_load %arg14[%get3A_203] {strides = array<i32>} : memref<80xi32, #tpu.memory_space<vmem>>, vector<16xi32>,
        %get3A_205 = arith.constant 16 : index
        %get3A_206 = tpu.vector_load %arg13[%get3A_205] {strides = array<i32>} : memref<80xf32, #tpu.memory_space<vmem>>, vector<16xf32>,
        %get3A_207 = arith.constant 16 : index
        %get3A_208 = tpu.vector_load %arg14[%get3A_207] {strides = array<i32>} : memref<80xi32, #tpu.memory_space<vmem>>, vector<16xi32>,
        %gt3A = arith.cmpf ogt, %get3A_206, %get3A_202 : vector<16xf32>
        %eq3A_209 = arith.cmpf oeq, %get3A_206, %get3A_202 : vector<16xf32>
        %lt3A_210 = arith.cmpi slt, %get3A_208, %get3A_204 : vector<16xi32>
        %and3A = arith.andi %eq3A_209, %lt3A_210 : vector<16xi1>
        %or3A = arith.ori %gt3A, %and3A : vector<16xi1>
        %select_n3A = arith.select %or3A, %get3A_206, %get3A_202 : vector<16xi1>, vector<16xf32>
        %select_n3A_211 = arith.select %or3A, %get3A_208, %get3A_204 : vector<16xi1>, vector<16xi32>
        %get3A_212 = arith.constant 32 : index
        %get3A_213 = tpu.vector_load %arg13[%get3A_212] {strides = array<i32>} : memref<80xf32, #tpu.memory_space<vmem>>, vector<16xf32>,
        %get3A_214 = arith.constant 32 : index
        %get3A_215 = tpu.vector_load %arg14[%get3A_214] {strides = array<i32>} : memref<80xi32, #tpu.memory_space<vmem>>, vector<16xi32>,
        %gt3A_216 = arith.cmpf ogt, %get3A_213, %select_n3A : vector<16xf32>
        %eq3A_217 = arith.cmpf oeq, %get3A_213, %select_n3A : vector<16xf32>
        %lt3A_218 = arith.cmpi slt, %get3A_215, %select_n3A_211 : vector<16xi32>
        %and3A_219 = arith.andi %eq3A_217, %lt3A_218 : vector<16xi1>
        %or3A_220 = arith.ori %gt3A_216, %and3A_219 : vector<16xi1>
        %select_n3A_221 = arith.select %or3A_220, %get3A_213, %select_n3A : vector<16xi1>, vector<16xf32>
        %select_n3A_222 = arith.select %or3A_220, %get3A_215, %select_n3A_211 : vector<16xi1>, vector<16xi32>
        %get3A_223 = arith.constant 48 : index
        %get3A_224 = tpu.vector_load %arg13[%get3A_223] {strides = array<i32>} : memref<80xf32, #tpu.memory_space<vmem>>, vector<16xf32>,
        %get3A_225 = arith.constant 48 : index
        %get3A_226 = tpu.vector_load %arg14[%get3A_225] {strides = array<i32>} : memref<80xi32, #tpu.memory_space<vmem>>, vector<16xi32>,
        %gt3A_227 = arith.cmpf ogt, %get3A_224, %select_n3A_221 : vector<16xf32>
        %eq3A_228 = arith.cmpf oeq, %get3A_224, %select_n3A_221 : vector<16xf32>
        %lt3A_229 = arith.cmpi slt, %get3A_226, %select_n3A_222 : vector<16xi32>
        %and3A_230 = arith.andi %eq3A_228, %lt3A_229 : vector<16xi1>
        %or3A_231 = arith.ori %gt3A_227, %and3A_230 : vector<16xi1>
        %select_n3A_232 = arith.select %or3A_231, %get3A_224, %select_n3A_221 : vector<16xi1>, vector<16xf32>
        %select_n3A_233 = arith.select %or3A_231, %get3A_226, %select_n3A_222 : vector<16xi1>, vector<16xi32>
        %get3A_234 = arith.constant 64 : index
        %get3A_235 = tpu.vector_load %arg13[%get3A_234] {strides = array<i32>} : memref<80xf32, #tpu.memory_space<vmem>>, vector<16xf32>,
        %get3A_236 = arith.constant 64 : index
        %get3A_237 = tpu.vector_load %arg14[%get3A_236] {strides = array<i32>} : memref<80xi32, #tpu.memory_space<vmem>>, vector<16xi32>,
        %gt3A_238 = arith.cmpf ogt, %get3A_235, %select_n3A_232 : vector<16xf32>
        %eq3A_239 = arith.cmpf oeq, %get3A_235, %select_n3A_232 : vector<16xf32>
        %lt3A_240 = arith.cmpi slt, %get3A_237, %select_n3A_233 : vector<16xi32>
        %and3A_241 = arith.andi %eq3A_239, %lt3A_240 : vector<16xi1>
        %or3A_242 = arith.ori %gt3A_238, %and3A_241 : vector<16xi1>
        %select_n3A_243 = arith.select %or3A_242, %get3A_235, %select_n3A_232 : vector<16xi1>, vector<16xf32>
        %select_n3A_244 = arith.select %or3A_242, %get3A_237, %select_n3A_233 : vector<16xi1>, vector<16xi32>
        %reduce_max3A_245 = arith.constant true
        %reduce_max3A_246 = vector.broadcast %reduce_max3A_245 : i1 to vector<16xi1>
        %reduce_max3A_247 = tpu.scan <max>, %select_n3A_243 masked %reduce_max3A_246 : vector<16xf32>, vector<16xi1> -> vector<16xf32>
        %reduce_max3A_248 = vector.extract %reduce_max3A_247[15] : f32 from vector<16xf32>
        %eq3A_249 = vector.broadcast %reduce_max3A_248 : f32 to vector<16xf32>
        %eq3A_250 = arith.cmpf oeq, %select_n3A_243, %eq3A_249 : vector<16xf32>
        %jit3A = arith.constant 2147483647 : i32
        %broadcast_in_dim3A_251 = vector.broadcast %jit3A : i32 to vector<16xi32>
        %select_n3A_252 = arith.select %eq3A_250, %select_n3A_244, %broadcast_in_dim3A_251 : vector<16xi1>, vector<16xi32>
        %reduce_min3A = arith.constant true
        %reduce_min3A_253 = vector.broadcast %reduce_min3A : i1 to vector<16xi1>
        %reduce_min3A_254 = arith.constant -2147483648 : i32
        %reduce_min3A_255 = vector.broadcast %reduce_min3A_254 : i32 to vector<16xi32>
        %reduce_min3A_256 = arith.xori %select_n3A_252, %reduce_min3A_255 : vector<16xi32>
        %reduce_min3A_257 = tpu.scan <min>, %reduce_min3A_256 masked %reduce_min3A_253 : vector<16xi32>, vector<16xi1> -> vector<16xi32>
        %reduce_min3A_258 = arith.xori %reduce_min3A_257, %reduce_min3A_255 : vector<16xi32>
        %reduce_min3A_259 = vector.extract %reduce_min3A_258[15] : i32 from vector<16xi32>
        %ge3A = arith.constant 0.000000e+00 : f32
        %ge3A_260 = arith.cmpf oge, %reduce_max3A_248, %ge3A : f32
        %mul3A_261 = arith.constant 26844 : i32
        %mul3A_262 = arith.muli %reduce_min3A_259, %mul3A_261 : i32
        %shift_right_arithmetic3A = arith.constant 25 : i32
        %shift_right_arithmetic3A_263 = arith.shrsi %mul3A_262, %shift_right_arithmetic3A : i32
        %mul3A_264 = arith.constant 1250 : i32
        %mul3A_265 = arith.muli %shift_right_arithmetic3A_263, %mul3A_264 : i32
        %sub3A = arith.subi %reduce_min3A_259, %mul3A_265 : i32
        %mul3A_266 = arith.constant 6554 : i32
        %mul3A_267 = arith.muli %sub3A, %mul3A_266 : i32
        %shift_right_arithmetic3A_268 = arith.constant 19 : i32
        %shift_right_arithmetic3A_269 = arith.shrsi %mul3A_267, %shift_right_arithmetic3A_268 : i32
        %mul3A_270 = arith.constant 80 : i32
        %mul3A_271 = arith.muli %shift_right_arithmetic3A_269, %mul3A_270 : i32
        %sub3A_272 = arith.subi %sub3A, %mul3A_271 : i32
        %mul3A_273 = arith.constant 1280 : i32
        %mul3A_274 = arith.muli %shift_right_arithmetic3A_263, %mul3A_273 : i32
        %add3A_275 = arith.addi %mul3A_274, %sub3A : i32
        %broadcast_in_dim3A_276 = vector.broadcast %add3A_275 : i32 to vector<16xi32>
        %and3A_277 = vector.broadcast %ge3A_260 : i1 to vector<16xi1>
        %and3A_278 = arith.andi %eq3A_69, %and3A_277 : vector<16xi1>
        tpu.vector_store_idx %arg6[%broadcast_in_dim3A_276], %broadcast_in_dim3A_70 masked %and3A_278 : memref<20480xf32, #tpu.memory_space<vmem>>[vector<16xi32>], vector<16xf32>, vector<16xi1>
        %add3A_279 = vector.broadcast %sub3A : i32 to vector<16xi32>
        %add3A_280 = arith.addi %mul3A_176, %add3A_279 : vector<16xi32>
        %gather3A = tpu.vector_load_idx %arg6[%add3A_280] : memref<20480xf32, #tpu.memory_space<vmem>>[vector<16xi32>], vector<16xf32>,
        %add3A_281 = vector.broadcast %sub3A : i32 to vector<16xi32>
        %add3A_282 = arith.addi %mul3A_179, %add3A_281 : vector<16xi32>
        %reduce_max3A_283 = arith.constant true
        %reduce_max3A_284 = vector.broadcast %reduce_max3A_283 : i1 to vector<16xi1>
        %reduce_max3A_285 = tpu.scan <max>, %gather3A masked %reduce_max3A_284 : vector<16xf32>, vector<16xi1> -> vector<16xf32>
        %reduce_max3A_286 = vector.extract %reduce_max3A_285[15] : f32 from vector<16xf32>
        %eq3A_287 = vector.broadcast %reduce_max3A_286 : f32 to vector<16xf32>
        %eq3A_288 = arith.cmpf oeq, %gather3A, %eq3A_287 : vector<16xf32>
        %jit3A_289 = arith.constant 2147483647 : i32
        %broadcast_in_dim3A_290 = vector.broadcast %jit3A_289 : i32 to vector<16xi32>
        %select_n3A_291 = arith.select %eq3A_288, %add3A_282, %broadcast_in_dim3A_290 : vector<16xi1>, vector<16xi32>
        %reduce_min3A_292 = arith.constant true
        %reduce_min3A_293 = vector.broadcast %reduce_min3A_292 : i1 to vector<16xi1>
        %reduce_min3A_294 = arith.constant -2147483648 : i32
        %reduce_min3A_295 = vector.broadcast %reduce_min3A_294 : i32 to vector<16xi32>
        %reduce_min3A_296 = arith.xori %select_n3A_291, %reduce_min3A_295 : vector<16xi32>
        %reduce_min3A_297 = tpu.scan <min>, %reduce_min3A_296 masked %reduce_min3A_293 : vector<16xi32>, vector<16xi1> -> vector<16xi32>
        %reduce_min3A_298 = arith.xori %reduce_min3A_297, %reduce_min3A_295 : vector<16xi32>
        %reduce_min3A_299 = vector.extract %reduce_min3A_298[15] : i32 from vector<16xi32>
        %broadcast_in_dim3A_300 = vector.broadcast %sub3A : i32 to vector<16xi32>
        %broadcast_in_dim3A_301 = vector.broadcast %reduce_max3A_286 : f32 to vector<16xf32>
        tpu.vector_store_idx %arg11[%broadcast_in_dim3A_300], %broadcast_in_dim3A_301 masked %eq3A_69 : memref<1280xf32, #tpu.memory_space<vmem>>[vector<16xi32>], vector<16xf32>, vector<16xi1>
        %broadcast_in_dim3A_302 = vector.broadcast %reduce_min3A_299 : i32 to vector<16xi32>
        tpu.vector_store_idx %arg12[%broadcast_in_dim3A_300], %broadcast_in_dim3A_302 masked %eq3A_69 : memref<1280xi32, #tpu.memory_space<vmem>>[vector<16xi32>], vector<16xi32>, vector<16xi1>
        %add3A_303 = vector.broadcast %sub3A_272 : i32 to vector<16xi32>
        %add3A_304 = arith.addi %mul3A_182, %add3A_303 : vector<16xi32>
        %gather3A_305 = tpu.vector_load_idx %arg11[%add3A_304] : memref<1280xf32, #tpu.memory_space<vmem>>[vector<16xi32>], vector<16xf32>,
        %gather3A_306 = tpu.vector_load_idx %arg12[%add3A_304] : memref<1280xi32, #tpu.memory_space<vmem>>[vector<16xi32>], vector<16xi32>,
        %reduce_max3A_307 = arith.constant true
        %reduce_max3A_308 = vector.broadcast %reduce_max3A_307 : i1 to vector<16xi1>
        %reduce_max3A_309 = tpu.scan <max>, %gather3A_305 masked %reduce_max3A_308 : vector<16xf32>, vector<16xi1> -> vector<16xf32>
        %reduce_max3A_310 = vector.extract %reduce_max3A_309[15] : f32 from vector<16xf32>
        %eq3A_311 = vector.broadcast %reduce_max3A_310 : f32 to vector<16xf32>
        %eq3A_312 = arith.cmpf oeq, %gather3A_305, %eq3A_311 : vector<16xf32>
        %jit3A_313 = arith.constant 2147483647 : i32
        %broadcast_in_dim3A_314 = vector.broadcast %jit3A_313 : i32 to vector<16xi32>
        %select_n3A_315 = arith.select %eq3A_312, %gather3A_306, %broadcast_in_dim3A_314 : vector<16xi1>, vector<16xi32>
        %reduce_min3A_316 = arith.constant true
        %reduce_min3A_317 = vector.broadcast %reduce_min3A_316 : i1 to vector<16xi1>
        %reduce_min3A_318 = arith.constant -2147483648 : i32
        %reduce_min3A_319 = vector.broadcast %reduce_min3A_318 : i32 to vector<16xi32>
        %reduce_min3A_320 = arith.xori %select_n3A_315, %reduce_min3A_319 : vector<16xi32>
        %reduce_min3A_321 = tpu.scan <min>, %reduce_min3A_320 masked %reduce_min3A_317 : vector<16xi32>, vector<16xi1> -> vector<16xi32>
        %reduce_min3A_322 = arith.xori %reduce_min3A_321, %reduce_min3A_319 : vector<16xi32>
        %reduce_min3A_323 = vector.extract %reduce_min3A_322[15] : i32 from vector<16xi32>
        %broadcast_in_dim3A_324 = vector.broadcast %sub3A_272 : i32 to vector<16xi32>
        %broadcast_in_dim3A_325 = vector.broadcast %reduce_max3A_310 : f32 to vector<16xf32>
        tpu.vector_store_idx %arg13[%broadcast_in_dim3A_324], %broadcast_in_dim3A_325 masked %eq3A_69 : memref<80xf32, #tpu.memory_space<vmem>>[vector<16xi32>], vector<16xf32>, vector<16xi1>
        %broadcast_in_dim3A_326 = vector.broadcast %reduce_min3A_323 : i32 to vector<16xi32>
        tpu.vector_store_idx %arg14[%broadcast_in_dim3A_324], %broadcast_in_dim3A_326 masked %eq3A_69 : memref<80xi32, #tpu.memory_space<vmem>>[vector<16xi32>], vector<16xi32>, vector<16xi1>
        %broadcast_in_dim3A_327 = vector.broadcast %reduce_min3A_259 : i32 to vector<16xi32>
        %gather3A_328 = tpu.vector_load_idx %arg7[%broadcast_in_dim3A_327] : memref<20480xf32, #tpu.memory_space<vmem>>[vector<16xi32>], vector<16xf32>,
        %gather3A_329 = tpu.vector_load_idx %arg8[%broadcast_in_dim3A_327] : memref<20480xf32, #tpu.memory_space<vmem>>[vector<16xi32>], vector<16xf32>,
        %gather3A_330 = tpu.vector_load_idx %arg9[%broadcast_in_dim3A_327] : memref<20480xf32, #tpu.memory_space<vmem>>[vector<16xi32>], vector<16xf32>,
        %gather3A_331 = tpu.vector_load_idx %arg10[%broadcast_in_dim3A_327] : memref<20480xf32, #tpu.memory_space<vmem>>[vector<16xi32>], vector<16xf32>,
        %sub3A_332 = arith.subf %gather3A_330, %gather3A_328 : vector<16xf32>
        %max3A = arith.constant 0.000000e+00 : f32
        %max3A_333 = vector.broadcast %max3A : f32 to vector<16xf32>
        %max3A_334 = arith.maximumf %sub3A_332, %max3A_333 : vector<16xf32>
        %sub3A_335 = arith.subf %gather3A_331, %gather3A_329 : vector<16xf32>
        %max3A_336 = arith.constant 0.000000e+00 : f32
        %max3A_337 = vector.broadcast %max3A_336 : f32 to vector<16xf32>
        %max3A_338 = arith.maximumf %sub3A_335, %max3A_337 : vector<16xf32>
        %mul3A_339 = arith.mulf %max3A_334, %max3A_338 : vector<16xf32>
        %get3A_340 = arith.constant 0 : index
        %get3A_341 = tpu.vector_load %arg15[%get3A_340] {strides = array<i32>} : memref<112xf32, #tpu.memory_space<vmem>>, vector<16xf32>,
        %get3A_342 = arith.constant 0 : index
        %get3A_343 = tpu.vector_load %arg16[%get3A_342] {strides = array<i32>} : memref<112xf32, #tpu.memory_space<vmem>>, vector<16xf32>,
        %get3A_344 = arith.constant 0 : index
        %get3A_345 = tpu.vector_load %arg17[%get3A_344] {strides = array<i32>} : memref<112xf32, #tpu.memory_space<vmem>>, vector<16xf32>,
        %get3A_346 = arith.constant 0 : index
        %get3A_347 = tpu.vector_load %arg18[%get3A_346] {strides = array<i32>} : memref<112xf32, #tpu.memory_space<vmem>>, vector<16xf32>,
        %get3A_348 = arith.constant 0 : index
        %get3A_349 = tpu.vector_load %arg19[%get3A_348] {strides = array<i32>} : memref<112xf32, #tpu.memory_space<vmem>>, vector<16xf32>,
        %max3A_350 = arith.maximumf %gather3A_328, %get3A_341 : vector<16xf32>
        %max3A_351 = arith.maximumf %gather3A_329, %get3A_343 : vector<16xf32>
        %min3A = arith.minimumf %gather3A_330, %get3A_345 : vector<16xf32>
        %min3A_352 = arith.minimumf %gather3A_331, %get3A_347 : vector<16xf32>
        %sub3A_353 = arith.subf %min3A, %max3A_350 : vector<16xf32>
        %max3A_354 = arith.constant 0.000000e+00 : f32
        %max3A_355 = vector.broadcast %max3A_354 : f32 to vector<16xf32>
        %max3A_356 = arith.maximumf %sub3A_353, %max3A_355 : vector<16xf32>
        %sub3A_357 = arith.subf %min3A_352, %max3A_351 : vector<16xf32>
        %max3A_358 = arith.constant 0.000000e+00 : f32
        %max3A_359 = vector.broadcast %max3A_358 : f32 to vector<16xf32>
        %max3A_360 = arith.maximumf %sub3A_357, %max3A_359 : vector<16xf32>
        %mul3A_361 = arith.mulf %max3A_356, %max3A_360 : vector<16xf32>
        %add3A_362 = arith.addf %mul3A_339, %get3A_349 : vector<16xf32>
        %sub3A_363 = arith.subf %add3A_362, %mul3A_361 : vector<16xf32>
        %max3A_364 = arith.constant 9.99999971E-10 : f32
        %max3A_365 = vector.broadcast %max3A_364 : f32 to vector<16xf32>
        %max3A_366 = arith.maximumf %sub3A_363, %max3A_365 : vector<16xf32>
        %div3A = arith.divf %mul3A_361, %max3A_366 : vector<16xf32>
        %max3A_367 = arith.maximumf %broadcast_in_dim3A_76, %div3A : vector<16xf32>
        %get3A_368 = arith.constant 16 : index
        %get3A_369 = tpu.vector_load %arg15[%get3A_368] {strides = array<i32>} : memref<112xf32, #tpu.memory_space<vmem>>, vector<16xf32>,
        %get3A_370 = arith.constant 16 : index
        %get3A_371 = tpu.vector_load %arg16[%get3A_370] {strides = array<i32>} : memref<112xf32, #tpu.memory_space<vmem>>, vector<16xf32>,
        %get3A_372 = arith.constant 16 : index
        %get3A_373 = tpu.vector_load %arg17[%get3A_372] {strides = array<i32>} : memref<112xf32, #tpu.memory_space<vmem>>, vector<16xf32>,
        %get3A_374 = arith.constant 16 : index
        %get3A_375 = tpu.vector_load %arg18[%get3A_374] {strides = array<i32>} : memref<112xf32, #tpu.memory_space<vmem>>, vector<16xf32>,
        %get3A_376 = arith.constant 16 : index
        %get3A_377 = tpu.vector_load %arg19[%get3A_376] {strides = array<i32>} : memref<112xf32, #tpu.memory_space<vmem>>, vector<16xf32>,
        %max3A_378 = arith.maximumf %gather3A_328, %get3A_369 : vector<16xf32>
        %max3A_379 = arith.maximumf %gather3A_329, %get3A_371 : vector<16xf32>
        %min3A_380 = arith.minimumf %gather3A_330, %get3A_373 : vector<16xf32>
        %min3A_381 = arith.minimumf %gather3A_331, %get3A_375 : vector<16xf32>
        %sub3A_382 = arith.subf %min3A_380, %max3A_378 : vector<16xf32>
        %max3A_383 = arith.constant 0.000000e+00 : f32
        %max3A_384 = vector.broadcast %max3A_383 : f32 to vector<16xf32>
        %max3A_385 = arith.maximumf %sub3A_382, %max3A_384 : vector<16xf32>
        %sub3A_386 = arith.subf %min3A_381, %max3A_379 : vector<16xf32>
        %max3A_387 = arith.constant 0.000000e+00 : f32
        %max3A_388 = vector.broadcast %max3A_387 : f32 to vector<16xf32>
        %max3A_389 = arith.maximumf %sub3A_386, %max3A_388 : vector<16xf32>
        %mul3A_390 = arith.mulf %max3A_385, %max3A_389 : vector<16xf32>
        %add3A_391 = arith.addf %mul3A_339, %get3A_377 : vector<16xf32>
        %sub3A_392 = arith.subf %add3A_391, %mul3A_390 : vector<16xf32>
        %max3A_393 = arith.constant 9.99999971E-10 : f32
        %max3A_394 = vector.broadcast %max3A_393 : f32 to vector<16xf32>
        %max3A_395 = arith.maximumf %sub3A_392, %max3A_394 : vector<16xf32>
        %div3A_396 = arith.divf %mul3A_390, %max3A_395 : vector<16xf32>
        %max3A_397 = arith.maximumf %max3A_367, %div3A_396 : vector<16xf32>
        %get3A_398 = arith.constant 32 : index
        %get3A_399 = tpu.vector_load %arg15[%get3A_398] {strides = array<i32>} : memref<112xf32, #tpu.memory_space<vmem>>, vector<16xf32>,
        %get3A_400 = arith.constant 32 : index
        %get3A_401 = tpu.vector_load %arg16[%get3A_400] {strides = array<i32>} : memref<112xf32, #tpu.memory_space<vmem>>, vector<16xf32>,
        %get3A_402 = arith.constant 32 : index
        %get3A_403 = tpu.vector_load %arg17[%get3A_402] {strides = array<i32>} : memref<112xf32, #tpu.memory_space<vmem>>, vector<16xf32>,
        %get3A_404 = arith.constant 32 : index
        %get3A_405 = tpu.vector_load %arg18[%get3A_404] {strides = array<i32>} : memref<112xf32, #tpu.memory_space<vmem>>, vector<16xf32>,
        %get3A_406 = arith.constant 32 : index
        %get3A_407 = tpu.vector_load %arg19[%get3A_406] {strides = array<i32>} : memref<112xf32, #tpu.memory_space<vmem>>, vector<16xf32>,
        %max3A_408 = arith.maximumf %gather3A_328, %get3A_399 : vector<16xf32>
        %max3A_409 = arith.maximumf %gather3A_329, %get3A_401 : vector<16xf32>
        %min3A_410 = arith.minimumf %gather3A_330, %get3A_403 : vector<16xf32>
        %min3A_411 = arith.minimumf %gather3A_331, %get3A_405 : vector<16xf32>
        %sub3A_412 = arith.subf %min3A_410, %max3A_408 : vector<16xf32>
        %max3A_413 = arith.constant 0.000000e+00 : f32
        %max3A_414 = vector.broadcast %max3A_413 : f32 to vector<16xf32>
        %max3A_415 = arith.maximumf %sub3A_412, %max3A_414 : vector<16xf32>
        %sub3A_416 = arith.subf %min3A_411, %max3A_409 : vector<16xf32>
        %max3A_417 = arith.constant 0.000000e+00 : f32
        %max3A_418 = vector.broadcast %max3A_417 : f32 to vector<16xf32>
        %max3A_419 = arith.maximumf %sub3A_416, %max3A_418 : vector<16xf32>
        %mul3A_420 = arith.mulf %max3A_415, %max3A_419 : vector<16xf32>
        %add3A_421 = arith.addf %mul3A_339, %get3A_407 : vector<16xf32>
        %sub3A_422 = arith.subf %add3A_421, %mul3A_420 : vector<16xf32>
        %max3A_423 = arith.constant 9.99999971E-10 : f32
        %max3A_424 = vector.broadcast %max3A_423 : f32 to vector<16xf32>
        %max3A_425 = arith.maximumf %sub3A_422, %max3A_424 : vector<16xf32>
        %div3A_426 = arith.divf %mul3A_420, %max3A_425 : vector<16xf32>
        %max3A_427 = arith.maximumf %max3A_397, %div3A_426 : vector<16xf32>
        %get3A_428 = arith.constant 48 : index
        %get3A_429 = tpu.vector_load %arg15[%get3A_428] {strides = array<i32>} : memref<112xf32, #tpu.memory_space<vmem>>, vector<16xf32>,
        %get3A_430 = arith.constant 48 : index
        %get3A_431 = tpu.vector_load %arg16[%get3A_430] {strides = array<i32>} : memref<112xf32, #tpu.memory_space<vmem>>, vector<16xf32>,
        %get3A_432 = arith.constant 48 : index
        %get3A_433 = tpu.vector_load %arg17[%get3A_432] {strides = array<i32>} : memref<112xf32, #tpu.memory_space<vmem>>, vector<16xf32>,
        %get3A_434 = arith.constant 48 : index
        %get3A_435 = tpu.vector_load %arg18[%get3A_434] {strides = array<i32>} : memref<112xf32, #tpu.memory_space<vmem>>, vector<16xf32>,
        %get3A_436 = arith.constant 48 : index
        %get3A_437 = tpu.vector_load %arg19[%get3A_436] {strides = array<i32>} : memref<112xf32, #tpu.memory_space<vmem>>, vector<16xf32>,
        %max3A_438 = arith.maximumf %gather3A_328, %get3A_429 : vector<16xf32>
        %max3A_439 = arith.maximumf %gather3A_329, %get3A_431 : vector<16xf32>
        %min3A_440 = arith.minimumf %gather3A_330, %get3A_433 : vector<16xf32>
        %min3A_441 = arith.minimumf %gather3A_331, %get3A_435 : vector<16xf32>
        %sub3A_442 = arith.subf %min3A_440, %max3A_438 : vector<16xf32>
        %max3A_443 = arith.constant 0.000000e+00 : f32
        %max3A_444 = vector.broadcast %max3A_443 : f32 to vector<16xf32>
        %max3A_445 = arith.maximumf %sub3A_442, %max3A_444 : vector<16xf32>
        %sub3A_446 = arith.subf %min3A_441, %max3A_439 : vector<16xf32>
        %max3A_447 = arith.constant 0.000000e+00 : f32
        %max3A_448 = vector.broadcast %max3A_447 : f32 to vector<16xf32>
        %max3A_449 = arith.maximumf %sub3A_446, %max3A_448 : vector<16xf32>
        %mul3A_450 = arith.mulf %max3A_445, %max3A_449 : vector<16xf32>
        %add3A_451 = arith.addf %mul3A_339, %get3A_437 : vector<16xf32>
        %sub3A_452 = arith.subf %add3A_451, %mul3A_450 : vector<16xf32>
        %max3A_453 = arith.constant 9.99999971E-10 : f32
        %max3A_454 = vector.broadcast %max3A_453 : f32 to vector<16xf32>
        %max3A_455 = arith.maximumf %sub3A_452, %max3A_454 : vector<16xf32>
        %div3A_456 = arith.divf %mul3A_450, %max3A_455 : vector<16xf32>
        %max3A_457 = arith.maximumf %max3A_427, %div3A_456 : vector<16xf32>
        %get3A_458 = arith.constant 64 : index
        %get3A_459 = tpu.vector_load %arg15[%get3A_458] {strides = array<i32>} : memref<112xf32, #tpu.memory_space<vmem>>, vector<16xf32>,
        %get3A_460 = arith.constant 64 : index
        %get3A_461 = tpu.vector_load %arg16[%get3A_460] {strides = array<i32>} : memref<112xf32, #tpu.memory_space<vmem>>, vector<16xf32>,
        %get3A_462 = arith.constant 64 : index
        %get3A_463 = tpu.vector_load %arg17[%get3A_462] {strides = array<i32>} : memref<112xf32, #tpu.memory_space<vmem>>, vector<16xf32>,
        %get3A_464 = arith.constant 64 : index
        %get3A_465 = tpu.vector_load %arg18[%get3A_464] {strides = array<i32>} : memref<112xf32, #tpu.memory_space<vmem>>, vector<16xf32>,
        %get3A_466 = arith.constant 64 : index
        %get3A_467 = tpu.vector_load %arg19[%get3A_466] {strides = array<i32>} : memref<112xf32, #tpu.memory_space<vmem>>, vector<16xf32>,
        %max3A_468 = arith.maximumf %gather3A_328, %get3A_459 : vector<16xf32>
        %max3A_469 = arith.maximumf %gather3A_329, %get3A_461 : vector<16xf32>
        %min3A_470 = arith.minimumf %gather3A_330, %get3A_463 : vector<16xf32>
        %min3A_471 = arith.minimumf %gather3A_331, %get3A_465 : vector<16xf32>
        %sub3A_472 = arith.subf %min3A_470, %max3A_468 : vector<16xf32>
        %max3A_473 = arith.constant 0.000000e+00 : f32
        %max3A_474 = vector.broadcast %max3A_473 : f32 to vector<16xf32>
        %max3A_475 = arith.maximumf %sub3A_472, %max3A_474 : vector<16xf32>
        %sub3A_476 = arith.subf %min3A_471, %max3A_469 : vector<16xf32>
        %max3A_477 = arith.constant 0.000000e+00 : f32
        %max3A_478 = vector.broadcast %max3A_477 : f32 to vector<16xf32>
        %max3A_479 = arith.maximumf %sub3A_476, %max3A_478 : vector<16xf32>
        %mul3A_480 = arith.mulf %max3A_475, %max3A_479 : vector<16xf32>
        %add3A_481 = arith.addf %mul3A_339, %get3A_467 : vector<16xf32>
        %sub3A_482 = arith.subf %add3A_481, %mul3A_480 : vector<16xf32>
        %max3A_483 = arith.constant 9.99999971E-10 : f32
        %max3A_484 = vector.broadcast %max3A_483 : f32 to vector<16xf32>
        %max3A_485 = arith.maximumf %sub3A_482, %max3A_484 : vector<16xf32>
        %div3A_486 = arith.divf %mul3A_480, %max3A_485 : vector<16xf32>
        %max3A_487 = arith.maximumf %max3A_457, %div3A_486 : vector<16xf32>
        %get3A_488 = arith.constant 80 : index
        %get3A_489 = tpu.vector_load %arg15[%get3A_488] {strides = array<i32>} : memref<112xf32, #tpu.memory_space<vmem>>, vector<16xf32>,
        %get3A_490 = arith.constant 80 : index
        %get3A_491 = tpu.vector_load %arg16[%get3A_490] {strides = array<i32>} : memref<112xf32, #tpu.memory_space<vmem>>, vector<16xf32>,
        %get3A_492 = arith.constant 80 : index
        %get3A_493 = tpu.vector_load %arg17[%get3A_492] {strides = array<i32>} : memref<112xf32, #tpu.memory_space<vmem>>, vector<16xf32>,
        %get3A_494 = arith.constant 80 : index
        %get3A_495 = tpu.vector_load %arg18[%get3A_494] {strides = array<i32>} : memref<112xf32, #tpu.memory_space<vmem>>, vector<16xf32>,
        %get3A_496 = arith.constant 80 : index
        %get3A_497 = tpu.vector_load %arg19[%get3A_496] {strides = array<i32>} : memref<112xf32, #tpu.memory_space<vmem>>, vector<16xf32>,
        %max3A_498 = arith.maximumf %gather3A_328, %get3A_489 : vector<16xf32>
        %max3A_499 = arith.maximumf %gather3A_329, %get3A_491 : vector<16xf32>
        %min3A_500 = arith.minimumf %gather3A_330, %get3A_493 : vector<16xf32>
        %min3A_501 = arith.minimumf %gather3A_331, %get3A_495 : vector<16xf32>
        %sub3A_502 = arith.subf %min3A_500, %max3A_498 : vector<16xf32>
        %max3A_503 = arith.constant 0.000000e+00 : f32
        %max3A_504 = vector.broadcast %max3A_503 : f32 to vector<16xf32>
        %max3A_505 = arith.maximumf %sub3A_502, %max3A_504 : vector<16xf32>
        %sub3A_506 = arith.subf %min3A_501, %max3A_499 : vector<16xf32>
        %max3A_507 = arith.constant 0.000000e+00 : f32
        %max3A_508 = vector.broadcast %max3A_507 : f32 to vector<16xf32>
        %max3A_509 = arith.maximumf %sub3A_506, %max3A_508 : vector<16xf32>
        %mul3A_510 = arith.mulf %max3A_505, %max3A_509 : vector<16xf32>
        %add3A_511 = arith.addf %mul3A_339, %get3A_497 : vector<16xf32>
        %sub3A_512 = arith.subf %add3A_511, %mul3A_510 : vector<16xf32>
        %max3A_513 = arith.constant 9.99999971E-10 : f32
        %max3A_514 = vector.broadcast %max3A_513 : f32 to vector<16xf32>
        %max3A_515 = arith.maximumf %sub3A_512, %max3A_514 : vector<16xf32>
        %div3A_516 = arith.divf %mul3A_510, %max3A_515 : vector<16xf32>
        %max3A_517 = arith.maximumf %max3A_487, %div3A_516 : vector<16xf32>
        %get3A_518 = arith.constant 96 : index
        %get3A_519 = tpu.vector_load %arg15[%get3A_518] {strides = array<i32>} : memref<112xf32, #tpu.memory_space<vmem>>, vector<16xf32>,
        %get3A_520 = arith.constant 96 : index
        %get3A_521 = tpu.vector_load %arg16[%get3A_520] {strides = array<i32>} : memref<112xf32, #tpu.memory_space<vmem>>, vector<16xf32>,
        %get3A_522 = arith.constant 96 : index
        %get3A_523 = tpu.vector_load %arg17[%get3A_522] {strides = array<i32>} : memref<112xf32, #tpu.memory_space<vmem>>, vector<16xf32>,
        %get3A_524 = arith.constant 96 : index
        %get3A_525 = tpu.vector_load %arg18[%get3A_524] {strides = array<i32>} : memref<112xf32, #tpu.memory_space<vmem>>, vector<16xf32>,
        %get3A_526 = arith.constant 96 : index
        %get3A_527 = tpu.vector_load %arg19[%get3A_526] {strides = array<i32>} : memref<112xf32, #tpu.memory_space<vmem>>, vector<16xf32>,
        %max3A_528 = arith.maximumf %gather3A_328, %get3A_519 : vector<16xf32>
        %max3A_529 = arith.maximumf %gather3A_329, %get3A_521 : vector<16xf32>
        %min3A_530 = arith.minimumf %gather3A_330, %get3A_523 : vector<16xf32>
        %min3A_531 = arith.minimumf %gather3A_331, %get3A_525 : vector<16xf32>
        %sub3A_532 = arith.subf %min3A_530, %max3A_528 : vector<16xf32>
        %max3A_533 = arith.constant 0.000000e+00 : f32
        %max3A_534 = vector.broadcast %max3A_533 : f32 to vector<16xf32>
        %max3A_535 = arith.maximumf %sub3A_532, %max3A_534 : vector<16xf32>
        %sub3A_536 = arith.subf %min3A_531, %max3A_529 : vector<16xf32>
        %max3A_537 = arith.constant 0.000000e+00 : f32
        %max3A_538 = vector.broadcast %max3A_537 : f32 to vector<16xf32>
        %max3A_539 = arith.maximumf %sub3A_536, %max3A_538 : vector<16xf32>
        %mul3A_540 = arith.mulf %max3A_535, %max3A_539 : vector<16xf32>
        %add3A_541 = arith.addf %mul3A_339, %get3A_527 : vector<16xf32>
        %sub3A_542 = arith.subf %add3A_541, %mul3A_540 : vector<16xf32>
        %max3A_543 = arith.constant 9.99999971E-10 : f32
        %max3A_544 = vector.broadcast %max3A_543 : f32 to vector<16xf32>
        %max3A_545 = arith.maximumf %sub3A_542, %max3A_544 : vector<16xf32>
        %div3A_546 = arith.divf %mul3A_540, %max3A_545 : vector<16xf32>
        %max3A_547 = arith.maximumf %max3A_517, %div3A_546 : vector<16xf32>
        %reduce_max3A_548 = arith.constant true
        %reduce_max3A_549 = vector.broadcast %reduce_max3A_548 : i1 to vector<16xi1>
        %reduce_max3A_550 = tpu.scan <max>, %max3A_547 masked %reduce_max3A_549 : vector<16xf32>, vector<16xi1> -> vector<16xf32>
        %reduce_max3A_551 = vector.extract %reduce_max3A_550[15] : f32 from vector<16xf32>
        %gt3A_552 = arith.cmpf ogt, %reduce_max3A_551, %reduce_max3A_174 : f32
        %not3A = arith.constant true
        %not3A_553 = arith.xori %gt3A_552, %not3A : i1
        %and3A_554 = arith.andi %ge3A_260, %not3A_553 : i1
        %and3A_555 = vector.broadcast %and3A_554 : i1 to vector<16xi1>
        %and3A_556 = arith.andi %eq3A_69, %and3A_555 : vector<16xi1>
        %broadcast_in_dim3A_557 = vector.broadcast %while3A_199 : i32 to vector<16xi32>
        tpu.vector_store_idx %arg20[%broadcast_in_dim3A_557], %broadcast_in_dim3A_327 masked %and3A_556 : memref<128xi32, #tpu.memory_space<vmem>>[vector<16xi32>], vector<16xi32>, vector<16xi1>
        tpu.vector_store_idx %arg15[%broadcast_in_dim3A_557], %gather3A_328 masked %and3A_556 : memref<112xf32, #tpu.memory_space<vmem>>[vector<16xi32>], vector<16xf32>, vector<16xi1>
        tpu.vector_store_idx %arg16[%broadcast_in_dim3A_557], %gather3A_329 masked %and3A_556 : memref<112xf32, #tpu.memory_space<vmem>>[vector<16xi32>], vector<16xf32>, vector<16xi1>
        tpu.vector_store_idx %arg17[%broadcast_in_dim3A_557], %gather3A_330 masked %and3A_556 : memref<112xf32, #tpu.memory_space<vmem>>[vector<16xi32>], vector<16xf32>, vector<16xi1>
        tpu.vector_store_idx %arg18[%broadcast_in_dim3A_557], %gather3A_331 masked %and3A_556 : memref<112xf32, #tpu.memory_space<vmem>>[vector<16xi32>], vector<16xf32>, vector<16xi1>
        tpu.vector_store_idx %arg19[%broadcast_in_dim3A_557], %mul3A_339 masked %and3A_556 : memref<112xf32, #tpu.memory_space<vmem>>[vector<16xi32>], vector<16xf32>, vector<16xi1>
        %convert_element_type3A_558 = arith.extui %and3A_554 : i1 to i32
        %add3A_559 = arith.addi %while3A_199, %convert_element_type3A_558 : i32
        %not3A_560 = arith.constant true
        %not3A_561 = arith.xori %ge3A_260, %not3A_560 : i1
        scf.yield %add3A_559, %not3A_561 : i32, i1
      }
      %mul3A_185 = arith.constant 8 : i32
      %mul3A_186 = arith.muli %arg0, %mul3A_185 : i32
      %add3A = arith.addi %mul3A_186, %arg1 : i32
      %dma_start3A_187 = arith.constant 0 : i32
      %dma_start3A_188 = tpu.memref_slice %arg5[%add3A, %dma_start3A_187] : memref<16x128xi32, #tpu.memory_space<hbm>> -> memref<1x128xi32, #tpu.memory_space<hbm>>
      %dma_start3A_189 = tpu.memref_squeeze %dma_start3A_188 : memref<1x128xi32, #tpu.memory_space<hbm>> -> memref<128xi32, #tpu.memory_space<hbm>>
      %dma_start3A_190 = arith.constant 0 : i32
      %dma_start3A_191 = tpu.memref_slice %arg5[%add3A, %dma_start3A_190] : memref<16x128xi32, #tpu.memory_space<hbm>> -> memref<1x128xi32, #tpu.memory_space<hbm>>
      %dma_start3A_192 = tpu.memref_squeeze %dma_start3A_191 : memref<1x128xi32, #tpu.memory_space<hbm>> -> memref<128xi32, #tpu.memory_space<hbm>>
      tpu.enqueue_dma source(%arg20 : memref<128xi32, #tpu.memory_space<vmem>>) target(%dma_start3A_192 : memref<128xi32, #tpu.memory_space<hbm>>) target_semaphore(%arg22 : memref<!tpu.dma_semaphore, #tpu.memory_space<semaphore_mem>>)
      %dma_wait3A_193 = arith.constant 0 : i32
      %dma_wait3A_194 = tpu.memref_slice %arg5[%add3A, %dma_wait3A_193] : memref<16x128xi32, #tpu.memory_space<hbm>> -> memref<1x128xi32, #tpu.memory_space<hbm>>
      %dma_wait3A_195 = tpu.memref_squeeze %dma_wait3A_194 : memref<1x128xi32, #tpu.memory_space<hbm>> -> memref<128xi32, #tpu.memory_space<hbm>>
      %dma_wait3A_196 = arith.constant 0 : i32
      %dma_wait3A_197 = tpu.memref_slice %arg5[%add3A, %dma_wait3A_196] : memref<16x128xi32, #tpu.memory_space<hbm>> -> memref<1x128xi32, #tpu.memory_space<hbm>>
      %dma_wait3A_198 = tpu.memref_squeeze %dma_wait3A_197 : memref<1x128xi32, #tpu.memory_space<hbm>> -> memref<128xi32, #tpu.memory_space<hbm>>
      tpu.wait_dma2 semaphore(%arg22 : memref<!tpu.dma_semaphore, #tpu.memory_space<semaphore_mem>>) src(%arg20 : memref<128xi32, #tpu.memory_space<vmem>>) dst(%dma_wait3A_198 : memref<128xi32, #tpu.memory_space<hbm>>)
    } else {
    }
    return
  }
}

</mosaic_0001>

<sc_bundles>
// kernel: _nms_sc.3.cloned.1.call-start
scs
__scs_entry_jumppad:
0x0: {  	(pc) =	sbr.rel $0x88, $3  }
0x1: {  	(tag) =	ssettag $0x0;
	lr =	simm.s32 $0x1  }
0x2: {  	[smem:$0x3F9E] =	sst lr;
	_ =	strace $0xD0000000  }
0x3: {  	_ = 	snop  }
0x4: {  	_ = 	snop  }
0x5: {  	_ = 	snop  }
0x6: {  	_ = 	snop  }
0x7: {  	_ = 	snop  }
__scs_overlays_trampoline_lowered:
0x8: {  	[smem:$0x3FAD] =	sst s0  }
0x9: {  	[smem:$0x3FAE] =	sst s1  }
0xa: {  	[smem:$0x3FAF] =	sst s2  }
0xb: {  	[smem:$0x3FB0] =	sst s3  }
0xc: {  	[smem:$0x3FB1] =	sst s4  }
0xd: {  	[smem:$0x3FB2] =	sst s5  }
0xe: {  	[smem:$0x3FB3] =	sst s6  }
0xf: {  	[smem:$0x3FB4] =	sst s7  }
0x10: {  	[smem:$0x3FB5] =	sst s8  }
0x11: {  	[smem:$0x3FB6] =	sst s9;
	s0 =	simm.s32 @!p0 $0x0  }
0x12: {  	s1 =	sld [smem:$0x3F9C];
	s0 =	simm.s32 @p0 $0x1  }
0x13: {  	[smem:$0x3FB7] =	sst s0;
	s0 =	simm.s32 @!p1 $0x0  }
0x14: {  	s2 =	sld [smem:$0x3F9B];
	s0 =	simm.s32 @p1 $0x1  }
0x15: {  	[smem:$0x3FB8] =	sst s0;
	s0 =	simm.s32 @!p2 $0x0  }
0x16: {  	s3 =	sld [smem:$0x3FDB];
	s0 =	simm.s32 @p2 $0x1  }
0x17: {  	s4 =	simm.s32 $0x1BF5;
	[smem:$0x3FBA] =	sst s0  }
0x18: {  	s0 =	sld [smem:$0x3F9D];
	_ =	swait.ge [sflag:s4], $0x0  }
0x19: {  	s7 =	sld [smem:$0x3F9E]  }
0x1a: {  	s8 =	sadd.s32 $0xFFFFE003, lr  }
0x1b: {  	s9 =	sadd.s32 $0xFFFFFEF7, lr;
	s5 =	simm.s32 $0xFFFFFFFF;
	p2 =	slt.u32 s8, $0xFFFFF086  }
0x1c: {  	p1 =	slt.u32 s9, $0xF7A;
	s5 =	simm.s32 @!p2 $0x0  }
0x1d: {  	s5 =	simm.s32 @p1 $0x1;
	p0 =	seq.s32 s7, s2  }
0x1e: {  	s7 =	smul.u32 @!p0 $0xF7A, s2;
	p2 =	seq.s32 @!p0 s5, $0x0  }
0x1f: {  	s9 =	smul.u32 $0xF7A, s1;
	s8 =	simm.s32 @!p0 $0x1BF5;
	p2 =	por !p2, p0  }
0x20: {  	[sflag:s8] =	ssyncset.s32 @!p0 $0xFFFFF086;
	s6 =	sadd.s32 @!p0 s3, s7;
	s7 =	simm.s32 @!p0 $0x108  }
0x21: {  	s3 =	sadd.s32 s3, s9;
	s6 =	sadd.s32 @!p0 $0x88, s6;
	s7 =	simm.s32 @p2 $0x1082  }
0x22: {  	[simem:s7], [sflag:s8] =	dma.local @!p0 [hbm:s6], $0xF7A  }
0x23: {  	s9 =	sor.u32 $0xD0000000, s2;
	s6 =	simm.s32 $0x108;
	_ =	swait.ge @!p0 [sflag:s8], $0x0  }
0x24: {  	s3 =	sadd.s32 $0x88, s3;
	s6 =	simm.s32 @!p1 $0x1082;
	[sflag:s4] =	ssyncset.s32 $0xFFFFF086  }
0x25: {  	[simem:s6], [sflag:s4] =	dma.local [hbm:s3], $0xF7A  }
0x26: {  	[smem:$0x3F9E] =	sst s1;
	(tag) =	ssettag s2;
	_ =	strace s9  }
0x27: {  	s1 =	sld [smem:$0x3FAE]  }
0x28: {  	s2 =	sld [smem:$0x3FAF]  }
0x29: {  	s4 =	sld [smem:$0x3FB1]  }
0x2a: {  	p0 =	seq.s32 s5, $0x0;
	s5 =	sld [smem:$0x3FB2]  }
0x2b: {  	s6 =	sld [smem:$0x3FB3]  }
0x2c: {  	s7 =	sld [smem:$0x3FB4]  }
0x2d: {  	s3 =	simm.s32 $0x108;
	s8 =	sld [smem:$0x3FB5]  }
0x2e: {  	s3 =	simm.s32 @!p0 $0x1082;
	s9 =	sld [smem:$0x3FB6]  }
0x2f: {  	lr =	sadd.s32 s0, s3;
	s0 =	sld [smem:$0x3FAD]  }
0x30: {  	s3 =	sld [smem:$0x3FB0]  }
0x31: {  	[smem:$0x3FB9] =	sst s10  }
0x32: {  	s10 =	sld [smem:$0x3FB7];
	_ =	sdelay $0x3  }
0x33: {  	p0 =	seq.s32 s10, $0x1;
	s10 =	sld [smem:$0x3FB9];
	_ =	sdelay $0x3  }
0x34: {  	[smem:$0x3FB9] =	sst s10  }
0x35: {  	s10 =	sld [smem:$0x3FB8];
	_ =	sdelay $0x3  }
0x36: {  	p1 =	seq.s32 s10, $0x1;
	s10 =	sld [smem:$0x3FB9];
	_ =	sdelay $0x3  }
0x37: {  	[smem:$0x3FB9] =	sst s10  }
0x38: {  	s10 =	sld [smem:$0x3FBA]  }
0x39: {  	_ = 	snop;
	(pc) =	sbr.ind lr, $3  }
0x3a: {  	_ = 	snop  }
0x3b: {  	_ = 	snop  }
0x3c: {  	p2 =	seq.s32 s10, $0x1;
	s10 =	sld [smem:$0x3FB9]  }
0x3d: {  	_ =	shalt  }
0x3e: {  	_ =	shalt  }
0x3f: {  	_ =	shalt  }
0x40: {  	_ =	shalt  }
0x41: {  	_ =	shalt  }
0x42: {  	_ =	shalt  }
0x43: {  	_ =	shalt  }
0x44: {  	_ =	shalt  }
0x45: {  	_ =	shalt  }
0x46: {  	_ =	shalt  }
0x47: {  	_ =	shalt  }
0x48: {  	_ =	shalt  }
0x49: {  	_ =	shalt  }
0x4a: {  	_ =	shalt  }
0x4b: {  	_ =	shalt  }
0x4c: {  	_ =	shalt  }
0x4d: {  	_ =	shalt  }
0x4e: {  	_ =	shalt  }
0x4f: {  	_ =	shalt  }
0x50: {  	_ =	shalt  }
0x51: {  	_ =	shalt  }
0x52: {  	_ =	shalt  }
0x53: {  	_ =	shalt  }
0x54: {  	_ =	shalt  }
0x55: {  	_ =	shalt  }
0x56: {  	_ =	shalt  }
0x57: {  	_ =	shalt  }
0x58: {  	_ =	shalt  }
0x59: {  	_ =	shalt  }
0x5a: {  	_ =	shalt  }
0x5b: {  	_ =	shalt  }
0x5c: {  	_ =	shalt  }
0x5d: {  	_ =	shalt  }
0x5e: {  	_ =	shalt  }
0x5f: {  	_ =	shalt  }
0x60: {  	_ =	shalt  }
0x61: {  	_ =	shalt  }
0x62: {  	_ =	shalt  }
0x63: {  	_ =	shalt  }
0x64: {  	_ =	shalt  }
0x65: {  	_ =	shalt  }
0x66: {  	_ =	shalt  }
0x67: {  	_ =	shalt  }
0x68: {  	_ =	shalt  }
0x69: {  	_ =	shalt  }
0x6a: {  	_ =	shalt  }
0x6b: {  	_ =	shalt  }
0x6c: {  	_ =	shalt  }
0x6d: {  	_ =	shalt  }
0x6e: {  	_ =	shalt  }
0x6f: {  	_ =	shalt  }
0x70: {  	_ =	shalt  }
0x71: {  	_ =	shalt  }
0x72: {  	_ =	shalt  }
0x73: {  	_ =	shalt  }
0x74: {  	_ =	shalt  }
0x75: {  	_ =	shalt  }
0x76: {  	_ =	shalt  }
0x77: {  	_ =	shalt  }
0x78: {  	_ =	shalt  }
0x79: {  	_ =	shalt  }
0x7a: {  	_ =	shalt  }
0x7b: {  	_ =	shalt  }
0x7c: {  	_ =	shalt  }
0x7d: {  	_ =	shalt  }
0x7e: {  	_ =	shalt  }
0x7f: {  	_ =	shalt  }
0x80: {  	_ =	shalt  }
0x81: {  	_ =	shalt  }
0x82: {  	_ =	shalt  }
0x83: {  	_ =	shalt  }
0x84: {  	_ =	shalt  }
0x85: {  	_ =	shalt  }
0x86: {  	_ =	shalt  }
0x87: {  	_ =	shalt  }
.Lfunc_end0:
.L_simem_size_0:
called_computation_lowered:
.L_overlay_start_0:
0x88: {  	s2 =	sld [smem:$0x3FD9]  }
0x89: {  	s3 =	sld [smem:$0x3FFE];
	_ =	sdelay $0x1  }
0x8a: {  	s1 =	srdreg.scid  }
0x8b: {  	s0 =	sand.u32 $0x1, s1  }
0x8c: {  	s18 =	sshll.u32 s0, $0xA;
	s2 =	sadd.s32 s3, s2  }
0x8d: {  	s2 =	sadd.s32 s2, s18  }
0x8e: {  	[smem:$0x3FC5] =	sst s2  }
0x8f: {  	_ = 	snop  }
0x90: {  	s2 =	sld [smem:$0x3FC9]  }
0x91: {  	s19 =	sld [smem:$0x3FC8]  }
0x92: {  	s4 =	sld [smem:$0x3FC7]  }
0x93: {  	s5 =	sld [smem:$0x3FD0];
	(tm) =	ssettm $0x1  }
0x94: {  	s6 =	sld [smem:$0x3FFB];
	_ =	sdelay $0x3  }
0x95: {  	_ =	strace s6  }
0x96: {  	s6 =	sld [smem:$0x3FFC];
	_ =	sdelay $0x3  }
0x97: {  	_ =	strace s6  }
0x98: {  	s6 =	sld [smem:$0x3FFD];
	_ =	sdelay $0x3  }
0x99: {  	_ =	strace s6  }
0x9a: {  	_ =	strace $0x8FFFFFFF  }
0x9b: {  	s20 =	sld [smem:$0x3FDB];
	_ =	sdelay $0x1  }
0x9c: {  	s7 =	simm.s32 $_scs_section_size  }
0x9d: {  	s8 =	simm.s32 $_size__tile_overlayer_lowered;
	s9 =	simm.s32 $_tile_overlayer_lowered  }
0x9e: {  	s23 =	simm.s32 $0x1BFF;
	s22 =	sshll.u32 s9, $0x1;
	s6 =	sadd.s32 s7, s20  }
0x9f: {  	s10 =	simm.s32 $0x0;
	s21 =	sshll.u32 s8, $0x1;
	s8 =	sadd.s32 s22, s6  }
0xa0: {  	[timem:s10], [sflag:s23] =	dma.local [hbm:s8], s21  }
0xa1: {  	_ =	swait.ge [sflag:s23], s21  }
0xa2: {  	s7 =	ssub.s32 $0x0, s21;
	[sflag:s23] =	ssyncset.done $0x0  }
0xa3: {  	[sflag:s23] =	ssyncadd.s32 s7;
	_ =	sdelay $0x1  }
0xa4: {  	s24 =	simm.s32 $0x1B8B  }
0xa5: {  	_ =	swait.ge [sflag:s24], $0x1  }
0xa6: {  	[sflag:s24] =	ssyncset.done $0x0  }
0xa7: {  	s25 =	simm.s32 $0x1B8E;
	[sflag:s24] =	ssyncadd.s32 $0xFFFFFFFF  }
0xa8: {  	s26 =	simm.s32 $execute0_lowered;
	[smem:$0x3FD2] =	sst s25  }
0xa9: {  	s7 =	sshll.u32 s26, $0x1;
	_ =	strace $0x80000046;
	[dreg:$0x1] =	wrdreg $0xFFFFFFFF  }
0xaa: {  	s28 =	simm.s32 $_size_execute0_lowered;
	s6 =	sadd.s32 s6, s7;
	[dreg:$0x0] =	wrdreg $0x0  }
0xab: {  	s7 =	sshll.u32 s28, $0x1;
	[dreg:$0x2] =	wrdreg s6  }
0xac: {  	[dreg:$0x3] =	wrdreg s7  }
0xad: {  	[dreg:$0x4] =	wrdreg $0xC0  }
0xae: {  	_ =	task [dreg:s10], $0x5FFFF  }
0xaf: {  	[dreg:$0x1] =	wrdreg $0xFFFFFFFF  }
0xb0: {  	[dreg:$0x0] =	wrdreg $0x60  }
0xb1: {  	[dreg:$0x2] =	wrdreg s2  }
0xb2: {  	[dreg:$0x3] =	wrdreg s19  }
0xb3: {  	[dreg:$0x4] =	wrdreg s4  }
0xb4: {  	[dreg:$0x5] =	wrdreg s5  }
0xb5: {  	[dreg:$0x6] =	wrdreg $0x9  }
0xb6: {  	_ =	task.clear_ibuf [dreg:s10], $0x7FFFF;
	_ =	strace $0x90000046  }
0xb7: {  	s29 =	simm.s32 $0x9;
	_ =	strace $0x80000048  }
0xb8: {  	_ =	swait.ge [sflag:s29], $0x1  }
0xb9: {  	[sflag:s29] =	ssyncadd.s32 $0xFFFFFFFF  }
0xba: {  	_ =	strace $0x90000048  }
0xbb: {  	_ =	sfence  }
0xbc: {  	s30 =	sld [smem:$0x0];
	_ =	sdelay $0x2  }
0xbd: {  	s31 =	sshll.u32 s1, $0xD;
	s1 =	sshrl.u32 s1, $0x2  }
0xbe: {  	s3 =	sand.u32 $0x4000, s31;
	s1 =	sadd.s32 s1, s30  }
0xbf: {  	s0 =	sor.u32 s3, s0;
	s1 =	sshll.u32 s1, $0x11  }
0xc0: {  	s0 =	sor.u32 s1, s0  }
0xc1: {  	s0 =	sadd.s32 $0x8F2B, s0  }
0xc2: {  	[sflag:s0] =	ssyncadd.remote.s32 $0x1  }
0xc3: {  	_ =	sfence.sel $0xFFFF  }
0xc4: {  	[dreg:$0x0] =	wrdreg $0xFFFFFFFF;
	(pc) =	sbr.abs _section_cstart, $3  }
0xc5: {  	[dreg:$0x1] =	wrdreg $0xFFFFFFFF  }
0xc6: {  	_ =	task.clear_ibuf [dreg:s10], $0x2FFFF;
	_ =	strace $0x9FFFFFFF  }
0xc7: {  	(tm) =	ssettm $0x7FFFFFFF  }
tec
execute0_lowered:
.L_overlay_start_1:
0x0: {  	(tag) =	ssettag $0x1  }
0x1: {  	s4 =	stileid.u32  }
0x2: {  	p0 =	sgt.u32 s4, $0x7  }
.Ltmp0:
0x3: {  	_ = 	snop;
	(pc) =	sbr.rel @p0 .LBB2_9-.Ltmp0, $4  }
0x4: {  	s0 =	rddreg [dreg:$0x0]  }
0x5: {  	s2 =	rddreg [dreg:$0x1];
	s3 =	simm.s32 $0x0  }
0x6: {  	[smem:$0x7FF] =	sst s3  }
0x7: {  	s1 =	rddreg [dreg:$0x3];
	_ =	strace $0x80000047  }
0x8: {  	s4 =	srdreg.scid;
	s22 =	stileid.u32  }
0x9: {  	s11 =	simm.s32 $0x80;
	s13 =	simm.s32 $0x1;
	s14 =	simm.s32 $0x200  }
0xa: {  	s15 =	simm.s32 $0x5000;
	s16 =	simm.s32 $0xA000;
	s17 =	simm.s32 $0xF000  }
0xb: {  	s18 =	simm.s32 $0x14000;
	s20 =	simm.s32 $0x19000;
	s21 =	simm.s32 $0x19500  }
0xc: {  	s28 =	simm.s32 $0x19C00;
	s29 =	simm.s32 $0x19C80;
	s5 =	sand.u32 $0x1, s4  }
0xd: {  	s30 =	simm.s32 $0x19D00;
	s31 =	simm.s32 $0x0;
	s4 =	smul.u32 $0x2800, s5  }
0xe: {  	s8 =	smul.u32 $0x28000, s5;
	s9 =	sshll.u32 s5, $0xA;
	s5 =	ssub.s32 $0x2, s5  }
0xf: {  	s25 =	sshrl.u32 s5, $0x1;
	s4 =	sadd.s32 s2, s4;
	s2 =	sshll.u32 s22, $0x7  }
0x10: {  	s26 =	ssub.s32 s5, s25;
	s22 =	simm.s32 $0x19A00;
	s25 =	simm.s32 $0x19B00  }
0x11: {  	s6 =	sadd.s32 $0x10, s4;
	s23 =	sadd.s32 $0x20, s4;
	s7 =	sadd.s32 $0x30, s4  }
0x12: {  	s9 =	sadd.s32 s2, s9;
	s2 =	sor.u32 s2, s8;
	[dreg:$0x5] =	wrdreg s6  }
0x13: {  	s10 =	smax.u32 s26, $0x1;
	s26 =	simm.s32 $0x19B80;
	[dreg:$0x6] =	wrdreg s23  }
0x14: {  	v0 =	vimm.f32 $8.999999480e+09;
	v1 =	vimm.f32 $0.0e+00;
	v2 =	vimm.s32 $0xFFFFFFFF;
	s24 =	sshrl.u32 s9, $0x3;
	s2 =	sshrl.u32 s2, $0x3;
	s23 =	simm.s32 $0x19A80  }
0x15: {  	v3 =	vlaneseq.u32;
	vm0 =	vmxor vm0, vm0;
	v4 =	vimm.f32 $-1.000000000e+00;
	s8 =	sadd.s32 s1, s24;
	s9 =	sadd.s32 s0, s2;
	s24 =	simm.s32 $0x19D80  }
.LBB2_2:
0x16: {  	s0 =	simm.s32 $0x0;
	s1 =	simm.s32 $0x400  }
0x17: {  	[tilespmem:s0], [sflag:$0x1] =	stream.strided.gather [hbm4b:s9+s11], $0x5000, s1, s11, $0x38;
	[tilespmem:$0x19E80] =	vst v63  }
0x18: {  	_ =	swait.ge [sflag:s13], $0x5000  }
0x19: {  	[sflag:s13] =	ssyncset.done $0x0  }
0x1a: {  	[sflag:s13] =	ssyncadd.s32 $0xFFFFB000  }
0x1b: {  	[tilespmem:s15], [sflag:$0x1] =	stream.strided.gather [hbm4b:s4+s11], $0x5000, s14, s11, $0x38;
	[tilespmem:$0x19E80] =	vst v63  }
0x1c: {  	_ =	swait.ge [sflag:s13], $0x5000  }
0x1d: {  	[sflag:s13] =	ssyncset.done $0x0  }
0x1e: {  	s2 =	rddreg [dreg:$0x5];
	[sflag:s13] =	ssyncadd.s32 $0xFFFFB000  }
0x1f: {  	[tilespmem:s16], [sflag:$0x1] =	stream.strided.gather [hbm4b:s2+s11], $0x5000, s14, s11, $0x38;
	[tilespmem:$0x19E80] =	vst v63  }
0x20: {  	_ =	swait.ge [sflag:s13], $0x5000  }
0x21: {  	[sflag:s13] =	ssyncset.done $0x0  }
0x22: {  	s5 =	rddreg [dreg:$0x6];
	[sflag:s13] =	ssyncadd.s32 $0xFFFFB000  }
0x23: {  	[tilespmem:s17], [sflag:$0x1] =	stream.strided.gather [hbm4b:s5+s11], $0x5000, s14, s11, $0x38;
	[tilespmem:$0x19E80] =	vst v63  }
0x24: {  	_ =	swait.ge [sflag:s13], $0x5000  }
0x25: {  	[sflag:s13] =	ssyncset.done $0x0  }
0x26: {  	[sflag:s13] =	ssyncadd.s32 $0xFFFFB000  }
0x27: {  	[tilespmem:s18], [sflag:$0x1] =	stream.strided.gather [hbm4b:s7+s11], $0x5000, s14, s11, $0x38;
	[tilespmem:$0x19E80] =	vst v63  }
0x28: {  	_ =	swait.ge [sflag:s13], $0x5000  }
0x29: {  	[sflag:s13] =	ssyncset.done $0x0  }
0x2a: {  	[sflag:s13] =	ssyncadd.s32 $0xFFFFB000  }
0x2b: {  	s2 =	simm.s32 $0x19E00;
	s6 =	rddreg [dreg:$0x2]  }
0x2c: {  	[tilespmem:s2], [sflag:$0x1] =	stream.linear.gather [hbm4b:s6+s0], $0x80, $0x38;
	[tilespmem:$0x19E80] =	vst v63  }
0x2d: {  	_ =	swait.ge [sflag:s13], $0x80  }
0x2e: {  	[sflag:s13] =	ssyncset.done $0x0  }
0x2f: {  	[sflag:s13] =	ssyncadd.s32 $0xFFFFFF80  }
0x30: {  	[tilespmem:$0x19B00] =	vst v0  }
0x31: {  	[tilespmem:$0x19B80] =	vst v0  }
0x32: {  	[tilespmem:$0x19C00] =	vst v0  }
0x33: {  	[tilespmem:$0x19C80] =	vst v0  }
0x34: {  	[tilespmem:$0x19D00] =	vst v1  }
0x35: {  	[tilespmem:$0x19B10] =	vst v0  }
0x36: {  	[tilespmem:$0x19B90] =	vst v0  }
0x37: {  	[tilespmem:$0x19C10] =	vst v0  }
0x38: {  	[tilespmem:$0x19C90] =	vst v0  }
0x39: {  	[tilespmem:$0x19D10] =	vst v1  }
0x3a: {  	[tilespmem:$0x19B20] =	vst v0  }
0x3b: {  	[tilespmem:$0x19BA0] =	vst v0  }
0x3c: {  	[tilespmem:$0x19C20] =	vst v0  }
0x3d: {  	[tilespmem:$0x19CA0] =	vst v0  }
0x3e: {  	[tilespmem:$0x19D20] =	vst v1  }
0x3f: {  	[tilespmem:$0x19B30] =	vst v0  }
0x40: {  	[tilespmem:$0x19BB0] =	vst v0  }
0x41: {  	[tilespmem:$0x19C30] =	vst v0  }
0x42: {  	[tilespmem:$0x19CB0] =	vst v0  }
0x43: {  	[tilespmem:$0x19D30] =	vst v1  }
0x44: {  	[tilespmem:$0x19B40] =	vst v0  }
0x45: {  	[tilespmem:$0x19BC0] =	vst v0  }
0x46: {  	[tilespmem:$0x19C40] =	vst v0  }
0x47: {  	[tilespmem:$0x19CC0] =	vst v0  }
0x48: {  	[tilespmem:$0x19D40] =	vst v1  }
0x49: {  	[tilespmem:$0x19B50] =	vst v0  }
0x4a: {  	[tilespmem:$0x19BD0] =	vst v0  }
0x4b: {  	[tilespmem:$0x19C50] =	vst v0  }
0x4c: {  	[tilespmem:$0x19CD0] =	vst v0  }
0x4d: {  	[tilespmem:$0x19D50] =	vst v1  }
0x4e: {  	[tilespmem:$0x19B60] =	vst v0  }
0x4f: {  	[tilespmem:$0x19BE0] =	vst v0  }
0x50: {  	[tilespmem:$0x19C60] =	vst v0  }
0x51: {  	[tilespmem:$0x19CE0] =	vst v0  }
0x52: {  	[tilespmem:$0x19D60] =	vst v1  }
0x53: {  	[tilespmem:$0x19D80] =	vst v2  }
0x54: {  	[tilespmem:$0x19D90] =	vst v2  }
0x55: {  	[tilespmem:$0x19DA0] =	vst v2  }
0x56: {  	[tilespmem:$0x19DB0] =	vst v2  }
0x57: {  	[tilespmem:$0x19DC0] =	vst v2  }
0x58: {  	[tilespmem:$0x19DD0] =	vst v2  }
0x59: {  	[tilespmem:$0x19DE0] =	vst v2  }
0x5a: {  	[tilespmem:$0x19DF0] =	vst v2  }
0x5b: {  	s1 =	sand.u32 $0x7F0, s0;
	v5 =	vld [tilespmem:s0+$0x0]  }
0x5c: {  	v6 =	vld [tilespmem:s1+$0x500];
	_ =	sdelay $0x1  }
0x5d: {  	v7 =	vld [tilespmem:s1+$0xA00];
	_ =	sdelay $0x1  }
0x5e: {  	v8 =	vld [tilespmem:s1+$0xF00]  }
0x5f: {  	vm5 =	vgt.f32 v6, v5  }
0x60: {  	v5 =	vsel vm5, v6, v5;
	v6 =	vld [tilespmem:s1+$0x1400]  }
0x61: {  	vm6 =	vgt.f32 v7, v5  }
0x62: {  	v5 =	vsel vm6, v7, v5;
	v7 =	vld [tilespmem:s1+$0x1900]  }
0x63: {  	vm7 =	vgt.f32 v8, v5  }
0x64: {  	v48 =	vld [tilespmem:s1+$0x1E00];
	v5 =	vsel vm7, v8, v5  }
0x65: {  	vm8 =	vgt.f32 v6, v5  }
0x66: {  	v5 =	vsel vm8, v6, v5;
	v6 =	vld [tilespmem:s1+$0x2300]  }
0x67: {  	vm4 =	vgt.f32 v7, v5  }
0x68: {  	v5 =	vsel vm4, v7, v5;
	v7 =	vld [tilespmem:s1+$0x2800]  }
0x69: {  	vm3 =	vgt.f32 v48, v5  }
0x6a: {  	v49 =	vld [tilespmem:s1+$0x2D00];
	v5 =	vsel vm3, v48, v5  }
0x6b: {  	vm1 =	vgt.f32 v6, v5  }
0x6c: {  	v5 =	vsel vm1, v6, v5;
	v6 =	vld [tilespmem:s1+$0x3200]  }
0x6d: {  	s12 =	simm.s32 $0x4E2;
	vm2 =	vgt.f32 v7, v5  }
0x6e: {  	s19 =	simm.s32 $0x9C4;
	v9 =	vor.u32 s0, v3;
	v10 =	vadd.s32 s12, v3;
	v5 =	vsel vm2, v7, v5;
	v7 =	vld [tilespmem:s1+$0x3700]  }
0x6f: {  	v50 =	vadd.s32 s19, v3;
	s5 =	simm.s32 $0xEA6;
	v9 =	vsel vm5, v10, v9;
	vm13 =	vgt.f32 v49, v5  }
0x70: {  	v51 =	vadd.s32 s5, v3;
	s6 =	simm.s32 $0x1388;
	v52 =	vld [tilespmem:s1+$0x3C00];
	v9 =	vsel vm6, v50, v9;
	v5 =	vsel vm13, v49, v5  }
0x71: {  	s12 =	simm.s32 $0x186A;
	v53 =	vadd.s32 s6, v3;
	v9 =	vsel vm7, v51, v9;
	vm14 =	vgt.f32 v6, v5  }
0x72: {  	s19 =	simm.s32 $0x1D4C;
	v54 =	vadd.s32 s12, v3;
	v9 =	vsel vm8, v53, v9;
	v5 =	vsel vm14, v6, v5;
	v6 =	vld [tilespmem:s1+$0x4100]  }
0x73: {  	v55 =	vadd.s32 s19, v3;
	s5 =	simm.s32 $0x222E;
	v9 =	vsel vm4, v54, v9;
	vm15 =	vgt.f32 v7, v5  }
0x74: {  	v56 =	vadd.s32 s5, v3;
	s6 =	simm.s32 $0x2710;
	v9 =	vsel vm3, v55, v9;
	v5 =	vsel vm15, v7, v5;
	v7 =	vld [tilespmem:s1+$0x4600]  }
0x75: {  	s12 =	simm.s32 $0x2BF2;
	v57 =	vor.u32 s6, v3;
	v9 =	vsel vm1, v56, v9;
	vm1 =	vgt.f32 v52, v5  }
0x76: {  	s19 =	simm.s32 $0x30D4;
	v58 =	vadd.s32 s12, v3;
	v59 =	vld [tilespmem:s1+$0x4B00];
	v9 =	vsel vm2, v57, v9;
	v5 =	vsel vm1, v52, v5  }
0x77: {  	v60 =	vadd.s32 s19, v3;
	s2 =	simm.s32 $0x35B6;
	v9 =	vsel vm13, v58, v9;
	vm2 =	vgt.f32 v6, v5  }
0x78: {  	s5 =	simm.s32 $0x3A98;
	v61 =	vadd.s32 s2, v3;
	v9 =	vsel vm14, v60, v9;
	v5 =	vsel vm2, v6, v5  }
0x79: {  	v62 =	vadd.s32 s5, v3;
	s6 =	simm.s32 $0x3F7A;
	v6 =	vsel vm15, v61, v9;
	vm3 =	vgt.f32 v7, v5  }
0x7a: {  	s12 =	simm.s32 $0x445C;
	v63 =	vadd.s32 s6, v3;
	v6 =	vsel vm1, v62, v6;
	v5 =	vsel vm3, v7, v5  }
0x7b: {  	s19 =	simm.s32 $0x493E;
	v6 =	vsel vm2, v63, v6;
	v7 =	vadd.s32 s12, v3;
	vm1 =	vgt.f32 v59, v5  }
0x7c: {  	v6 =	vsel vm3, v7, v6;
	v7 =	vadd.s32 s19, v3;
	v8 =	vsel vm1, v59, v5  }
0x7d: {  	s2 =	simm.s32 $0x19500;
	s1 =	simm.s32 $0x10;
	s12 =	simm.s32 $0x19000;
	v5 =	vsel vm1, v7, v6;
	[tilespmem:s20+$0x0] =	vst v8  }
.LBB2_3:
0x7e: {  	s0 =	sadd.s32 $0x10, s0  }
0x7f: {  	[tilespmem:s2+$0x0] =	vst v5;
	s12 =	sadd.s32 $0x10, s12;
	s2 =	sadd.s32 $0x10, s2;
	s19 =	smov.u32 s1  }
0x80: {  	p0 =	sne.s32 s1, $0x4F0;
	s1 =	sadd.s32 $0x10, s1;
	v5 =	vld [tilespmem:s0+$0x0];
	s5 =	sand.u32 $0x7F0, s19  }
0x81: {  	v6 =	vld [tilespmem:s5+$0x500];
	_ =	sdelay $0x1  }
0x82: {  	v7 =	vld [tilespmem:s5+$0xA00];
	_ =	sdelay $0x1  }
0x83: {  	v8 =	vld [tilespmem:s5+$0xF00]  }
0x84: {  	vm7 =	vgt.f32 v6, v5  }
0x85: {  	v5 =	vsel vm7, v6, v5;
	v6 =	vld [tilespmem:s5+$0x1400]  }
0x86: {  	vm8 =	vgt.f32 v7, v5  }
0x87: {  	v5 =	vsel vm8, v7, v5;
	v7 =	vld [tilespmem:s5+$0x1900]  }
0x88: {  	vm5 =	vgt.f32 v8, v5  }
0x89: {  	v5 =	vsel vm5, v8, v5;
	v8 =	vld [tilespmem:s5+$0x1E00]  }
0x8a: {  	vm6 =	vgt.f32 v6, v5  }
0x8b: {  	v5 =	vsel vm6, v6, v5;
	v6 =	vld [tilespmem:s5+$0x2300]  }
0x8c: {  	vm2 =	vgt.f32 v7, v5  }
0x8d: {  	v5 =	vsel vm2, v7, v5;
	v7 =	vld [tilespmem:s5+$0x2800]  }
0x8e: {  	vm3 =	vgt.f32 v8, v5  }
0x8f: {  	v5 =	vsel vm3, v8, v5;
	v8 =	vld [tilespmem:s5+$0x2D00]  }
0x90: {  	vm1 =	vgt.f32 v6, v5  }
0x91: {  	v5 =	vsel vm1, v6, v5;
	v6 =	vld [tilespmem:s5+$0x3200]  }
0x92: {  	s6 =	sadd.s32 $0x4E2, s19;
	vm4 =	vgt.f32 v7, v5  }
0x93: {  	v9 =	vor.u32 s19, v3;
	v10 =	vadd.s32 s6, v3;
	s6 =	sadd.s32 $0x9C4, s19;
	v5 =	vsel vm4, v7, v5;
	v7 =	vld [tilespmem:s5+$0x3700]  }
0x94: {  	v9 =	vsel vm7, v10, v9;
	v10 =	vadd.s32 s6, v3;
	s6 =	sadd.s32 $0xEA6, s19;
	vm7 =	vgt.f32 v8, v5  }
0x95: {  	v9 =	vsel vm8, v10, v9;
	v10 =	vadd.s32 s6, v3;
	s6 =	sadd.s32 $0x1388, s19;
	v5 =	vsel vm7, v8, v5;
	v8 =	vld [tilespmem:s5+$0x3C00]  }
0x96: {  	v9 =	vsel vm5, v10, v9;
	v10 =	vadd.s32 s6, v3;
	s6 =	sadd.s32 $0x186A, s19;
	vm5 =	vgt.f32 v6, v5  }
0x97: {  	v9 =	vsel vm6, v10, v9;
	v10 =	vadd.s32 s6, v3;
	s6 =	sadd.s32 $0x1D4C, s19;
	v5 =	vsel vm5, v6, v5;
	v6 =	vld [tilespmem:s5+$0x4100]  }
0x98: {  	v9 =	vsel vm2, v10, v9;
	v10 =	vadd.s32 s6, v3;
	s6 =	sadd.s32 $0x222E, s19;
	vm2 =	vgt.f32 v7, v5  }
0x99: {  	v9 =	vsel vm3, v10, v9;
	v10 =	vadd.s32 s6, v3;
	s6 =	sadd.s32 $0x2710, s19;
	v5 =	vsel vm2, v7, v5;
	v7 =	vld [tilespmem:s5+$0x4600]  }
0x9a: {  	v9 =	vsel vm1, v10, v9;
	v10 =	vor.u32 s6, v3;
	s6 =	sadd.s32 $0x2BF2, s19;
	vm1 =	vgt.f32 v8, v5  }
0x9b: {  	v9 =	vsel vm4, v10, v9;
	v10 =	vadd.s32 s6, v3;
	s6 =	sadd.s32 $0x30D4, s19;
	v5 =	vsel vm1, v8, v5;
	v8 =	vld [tilespmem:s5+$0x4B00]  }
0x9c: {  	v9 =	vsel vm7, v10, v9;
	v10 =	vadd.s32 s6, v3;
	s5 =	sadd.s32 $0x35B6, s19;
	vm3 =	vgt.f32 v6, v5  }
0x9d: {  	v9 =	vsel vm5, v10, v9;
	v10 =	vadd.s32 s5, v3;
	s5 =	sadd.s32 $0x3A98, s19;
	v5 =	vsel vm3, v6, v5  }
.Ltmp1:
0x9e: {  	v6 =	vsel vm2, v10, v9;
	v9 =	vadd.s32 s5, v3;
	s5 =	sadd.s32 $0x3F7A, s19;
	vm2 =	vgt.f32 v7, v5;
	(pc) =	sbr.rel @p0 .LBB2_3-.Ltmp1, $4  }
0x9f: {  	v6 =	vsel vm1, v9, v6;
	v9 =	vadd.s32 s5, v3;
	s5 =	sadd.s32 $0x445C, s19;
	v5 =	vsel vm2, v7, v5  }
0xa0: {  	v6 =	vsel vm3, v9, v6;
	v7 =	vadd.s32 s5, v3;
	s5 =	sadd.s32 $0x493E, s19;
	vm1 =	vgt.f32 v8, v5  }
0xa1: {  	v6 =	vsel vm2, v7, v6;
	v7 =	vadd.s32 s5, v3;
	v8 =	vsel vm1, v8, v5  }
0xa2: {  	v5 =	vsel vm1, v7, v6;
	[tilespmem:s12+$0x0] =	vst v8  }
0xa3: {  	[tilespmem:s2+$0x0] =	vst v5;
	s12 =	simm.s32 $0x0  }
0xa4: {  	v5 =	vld [tilespmem:s12+$0x19000]  }
0xa5: {  	v6 =	vld [tilespmem:s12+$0x19050]  }
0xa6: {  	v7 =	vld [tilespmem:s12+$0x19500]  }
0xa7: {  	v8 =	vld [tilespmem:s12+$0x19550];
	_ =	sdelay $0x2  }
0xa8: {  	v9 =	vld [tilespmem:s12+$0x190A0]  }
0xa9: {  	v10 =	vld [tilespmem:s12+$0x195A0]  }
0xaa: {  	vm1 =	veq.f32 v6, v5;
	vm2 =	vlt.s32 v8, v7  }
0xab: {  	vm3 =	vgt.f32 v6, v5;
	vm1 =	vmand vm1, vm2  }
0xac: {  	v11 =	vld [tilespmem:s12+$0x190F0];
	vm1 =	vmor vm3, vm1  }
0xad: {  	v5 =	vsel vm1, v6, v5;
	v6 =	vsel vm1, v8, v7;
	v7 =	vld [tilespmem:s12+$0x195F0]  }
0xae: {  	vm1 =	veq.f32 v9, v5;
	vm2 =	vlt.s32 v10, v6  }
0xaf: {  	vm3 =	vgt.f32 v9, v5;
	vm1 =	vmand vm1, vm2  }
0xb0: {  	v8 =	vld [tilespmem:s12+$0x19140];
	vm1 =	vmor vm3, vm1  }
0xb1: {  	v5 =	vsel vm1, v9, v5;
	v6 =	vsel vm1, v10, v6;
	v9 =	vld [tilespmem:s12+$0x19640]  }
0xb2: {  	vm1 =	veq.f32 v11, v5;
	vm2 =	vlt.s32 v7, v6  }
0xb3: {  	vm3 =	vgt.f32 v11, v5;
	vm1 =	vmand vm1, vm2  }
0xb4: {  	v10 =	vld [tilespmem:s12+$0x19190];
	vm1 =	vmor vm3, vm1  }
0xb5: {  	v5 =	vsel vm1, v11, v5;
	v6 =	vsel vm1, v7, v6;
	v7 =	vld [tilespmem:s12+$0x19690]  }
0xb6: {  	vm1 =	veq.f32 v8, v5;
	vm2 =	vlt.s32 v9, v6  }
0xb7: {  	v12 =	vld [tilespmem:s12+$0x191E0];
	vm3 =	vgt.f32 v8, v5;
	vm1 =	vmand vm1, vm2  }
0xb8: {  	v13 =	vld [tilespmem:s12+$0x19230];
	vm1 =	vmor vm3, vm1  }
0xb9: {  	v5 =	vsel vm1, v8, v5;
	v6 =	vsel vm1, v9, v6;
	v8 =	vld [tilespmem:s12+$0x196E0]  }
0xba: {  	s0 =	simm.s32 $0x10;
	v14 =	vld [tilespmem:s12+$0x19730];
	vm1 =	veq.f32 v10, v5;
	vm2 =	vlt.s32 v7, v6  }
0xbb: {  	v11 =	vld [tilespmem:s0+$0x19000];
	vm3 =	vgt.f32 v10, v5;
	vm1 =	vmand vm1, vm2  }
0xbc: {  	v9 =	vld [tilespmem:s0+$0x19050];
	vm1 =	vmor vm3, vm1  }
0xbd: {  	v5 =	vsel vm1, v10, v5;
	v6 =	vsel vm1, v7, v6;
	v7 =	vld [tilespmem:s0+$0x19500]  }
0xbe: {  	v10 =	vld [tilespmem:s0+$0x19550];
	vm1 =	veq.f32 v12, v5;
	vm2 =	vlt.s32 v8, v6  }
0xbf: {  	vm3 =	vgt.f32 v12, v5;
	vm1 =	vmand vm1, vm2  }
0xc0: {  	v15 =	vld [tilespmem:s12+$0x19280];
	vm1 =	vmor vm3, vm1  }
0xc1: {  	v5 =	vsel vm1, v12, v5;
	v6 =	vsel vm1, v8, v6;
	v8 =	vld [tilespmem:s12+$0x19780]  }
0xc2: {  	v16 =	vld [tilespmem:s0+$0x190A0];
	vm1 =	veq.f32 v9, v11;
	vm2 =	veq.f32 v13, v5;
	vm3 =	vlt.s32 v14, v6  }
0xc3: {  	v17 =	vld [tilespmem:s0+$0x195A0];
	vm4 =	vlt.s32 v10, v7;
	vm5 =	vgt.f32 v13, v5;
	vm2 =	vmand vm2, vm3  }
0xc4: {  	v12 =	vld [tilespmem:s12+$0x192D0];
	vm3 =	vgt.f32 v9, v11;
	vm1 =	vmand vm1, vm4;
	vm2 =	vmor vm5, vm2  }
0xc5: {  	vm1 =	vmor vm3, vm1;
	v5 =	vsel vm2, v13, v5;
	v6 =	vsel vm2, v14, v6;
	v13 =	vld [tilespmem:s12+$0x197D0]  }
0xc6: {  	v9 =	vsel vm1, v9, v11;
	vm2 =	veq.f32 v15, v5;
	vm3 =	vlt.s32 v8, v6  }
0xc7: {  	v7 =	vsel vm1, v10, v7;
	v10 =	vld [tilespmem:s12+$0x19320];
	vm1 =	vgt.f32 v15, v5;
	vm2 =	vmand vm2, vm3  }
0xc8: {  	v11 =	vld [tilespmem:s12+$0x19820];
	vm4 =	veq.f32 v16, v9;
	vm3 =	vgt.f32 v16, v9;
	vm1 =	vmor vm1, vm2  }
0xc9: {  	v14 =	vld [tilespmem:s0+$0x190F0];
	vm2 =	vlt.s32 v17, v7;
	v5 =	vsel vm1, v15, v5;
	v6 =	vsel vm1, v8, v6  }
0xca: {  	vm1 =	vmand vm4, vm2;
	v8 =	vld [tilespmem:s0+$0x195F0];
	vm2 =	veq.f32 v12, v5;
	vm4 =	vlt.s32 v13, v6  }
0xcb: {  	v18 =	vld [tilespmem:s0+$0x19640];
	vm1 =	vmor vm3, vm1;
	vm3 =	vgt.f32 v12, v5;
	vm2 =	vmand vm2, vm4  }
0xcc: {  	v9 =	vsel vm1, v16, v9;
	v16 =	vld [tilespmem:s12+$0x19370];
	vm2 =	vmor vm3, vm2  }
0xcd: {  	s1 =	simm.s32 $0x20;
	v7 =	vsel vm1, v17, v7;
	v5 =	vsel vm2, v12, v5;
	v6 =	vsel vm2, v13, v6;
	v12 =	vld [tilespmem:s12+$0x19870]  }
0xce: {  	v19 =	vld [tilespmem:s1+$0x19000];
	vm1 =	veq.f32 v14, v9;
	vm2 =	veq.f32 v10, v5;
	vm3 =	vlt.s32 v11, v6  }
0xcf: {  	v17 =	vld [tilespmem:s0+$0x19140];
	vm4 =	vlt.s32 v8, v7;
	vm5 =	vgt.f32 v10, v5;
	vm2 =	vmand vm2, vm3  }
0xd0: {  	v13 =	vld [tilespmem:s12+$0x193C0];
	vm3 =	vgt.f32 v14, v9;
	vm1 =	vmand vm1, vm4;
	vm2 =	vmor vm5, vm2  }
0xd1: {  	vm1 =	vmor vm3, vm1;
	v5 =	vsel vm2, v10, v5;
	v6 =	vsel vm2, v11, v6;
	v10 =	vld [tilespmem:s12+$0x198C0]  }
0xd2: {  	v15 =	vld [tilespmem:s12+$0x19410];
	v9 =	vsel vm1, v14, v9;
	vm2 =	veq.f32 v16, v5;
	vm3 =	vlt.s32 v12, v6  }
0xd3: {  	v14 =	vld [tilespmem:s1+$0x19050];
	v7 =	vsel vm1, v8, v7;
	vm1 =	vgt.f32 v16, v5;
	vm2 =	vmand vm2, vm3  }
0xd4: {  	v8 =	vld [tilespmem:s12+$0x19910];
	vm4 =	veq.f32 v17, v9;
	vm3 =	vgt.f32 v17, v9;
	vm1 =	vmor vm1, vm2  }
0xd5: {  	v11 =	vld [tilespmem:s0+$0x19190];
	vm2 =	vlt.s32 v18, v7;
	v5 =	vsel vm1, v16, v5;
	v6 =	vsel vm1, v12, v6  }
0xd6: {  	vm1 =	vmand vm4, vm2;
	v12 =	vld [tilespmem:s0+$0x19690];
	vm2 =	veq.f32 v13, v5;
	vm4 =	vlt.s32 v10, v6  }
0xd7: {  	vm1 =	vmor vm3, vm1;
	vm3 =	vgt.f32 v13, v5;
	vm4 =	vmand vm2, vm4  }
0xd8: {  	v16 =	vld [tilespmem:s12+$0x19460];
	vm2 =	veq.f32 v14, v19;
	v9 =	vsel vm1, v17, v9;
	vm3 =	vmor vm3, vm4  }
0xd9: {  	v7 =	vsel vm1, v18, v7;
	v13 =	vsel vm3, v13, v5;
	v6 =	vsel vm3, v10, v6;
	v10 =	vld [tilespmem:s12+$0x19960]  }
0xda: {  	v17 =	vld [tilespmem:s0+$0x191E0];
	vm1 =	veq.f32 v11, v9;
	vm3 =	veq.f32 v15, v13;
	vm4 =	vlt.s32 v8, v6  }
0xdb: {  	v18 =	vld [tilespmem:s0+$0x196E0];
	vm5 =	vlt.s32 v12, v7;
	vm6 =	vgt.f32 v15, v13;
	vm3 =	vmand vm3, vm4  }
0xdc: {  	v5 =	vld [tilespmem:s12+$0x194B0];
	vm4 =	vgt.f32 v11, v9;
	vm1 =	vmand vm1, vm5;
	vm3 =	vmor vm6, vm3  }
0xdd: {  	vm1 =	vmor vm4, vm1;
	v13 =	vsel vm3, v15, v13;
	v8 =	vsel vm3, v8, v6;
	v15 =	vld [tilespmem:s12+$0x199B0]  }
0xde: {  	v20 =	vld [tilespmem:s0+$0x19230];
	v9 =	vsel vm1, v11, v9;
	vm3 =	veq.f32 v16, v13;
	vm4 =	vlt.s32 v10, v8  }
0xdf: {  	v21 =	vld [tilespmem:s0+$0x19730];
	v7 =	vsel vm1, v12, v7;
	vm1 =	vgt.f32 v16, v13;
	vm3 =	vmand vm3, vm4  }
0xe0: {  	v22 =	vld [tilespmem:s1+$0x19500];
	vm5 =	veq.f32 v17, v9;
	vm4 =	vgt.f32 v17, v9;
	vm1 =	vmor vm1, vm3  }
0xe1: {  	v23 =	vld [tilespmem:s1+$0x19550];
	vm3 =	vlt.s32 v18, v7;
	v6 =	vsel vm1, v16, v13;
	v8 =	vsel vm1, v10, v8  }
0xe2: {  	vm1 =	vmand vm5, vm3;
	vm3 =	veq.f32 v5, v6;
	vm5 =	vlt.s32 v15, v8  }
0xe3: {  	v12 =	vld [tilespmem:s0+$0x19780];
	vm1 =	vmor vm4, vm1;
	vm4 =	vgt.f32 v5, v6;
	vm3 =	vmand vm3, vm5  }
0xe4: {  	v10 =	vld [tilespmem:s0+$0x19280];
	v13 =	vsel vm1, v17, v9;
	v17 =	vsel vm1, v18, v7;
	vm1 =	vmor vm4, vm3  }
0xe5: {  	v7 =	vld [tilespmem:s0+$0x192D0];
	vm3 =	veq.f32 v20, v13;
	vm4 =	vlt.s32 v21, v17;
	v8 =	vsel vm1, v15, v8  }
0xe6: {  	vm5 =	vlt.s32 v23, v22;
	v9 =	vld [tilespmem:s1+$0x190A0];
	vm15 =	vgt.f32 v20, v13;
	vm3 =	vmand vm3, vm4;
	[tilespmem:s12+$0x19A80] =	vst v8  }
0xe7: {  	vm2 =	vmand vm2, vm5;
	vm4 =	vgt.f32 v14, v19;
	vm3 =	vmor vm15, vm3;
	v11 =	vld [tilespmem:s1+$0x195A0]  }
0xe8: {  	vm2 =	vmor vm4, vm2;
	v16 =	vsel vm3, v20, v13;
	v17 =	vsel vm3, v21, v17;
	v13 =	vld [tilespmem:s0+$0x197D0]  }
0xe9: {  	v15 =	vsel vm2, v14, v19;
	vm3 =	veq.f32 v10, v16;
	vm4 =	vlt.s32 v12, v17  }
0xea: {  	s2 =	simm.s32 $0xC0;
	v14 =	vsel vm2, v23, v22;
	v8 =	vld [tilespmem:s0+$0x19320];
	vm2 =	vgt.f32 v10, v16;
	vm3 =	vmand vm3, vm4  }
.LBB2_5:
0xeb: {  	p0 =	sne.s32 s2, $0x100;
	vm4 =	vgt.f32 v9, v15;
	vm5 =	veq.f32 v9, v15;
	vm2 =	vmor vm2, vm3;
	v18 =	vld [tilespmem:s0+$0x19820]  }
0xec: {  	vm3 =	vlt.s32 v11, v14;
	v19 =	vld [tilespmem:s1+$0x190F0];
	v10 =	vsel vm2, v10, v16;
	v12 =	vsel vm2, v12, v17  }
0xed: {  	vm2 =	vmand vm5, vm3;
	v16 =	vld [tilespmem:s1+$0x195F0];
	vm3 =	veq.f32 v7, v10;
	vm5 =	vlt.s32 v13, v12  }
0xee: {  	vm2 =	vmor vm4, vm2;
	vm4 =	vgt.f32 v7, v10;
	vm3 =	vmand vm3, vm5;
	v17 =	vld [tilespmem:s0+$0x19410]  }
0xef: {  	v5 =	vsel vm1, v5, v6;
	v9 =	vsel vm2, v9, v15;
	vm3 =	vmor vm4, vm3;
	v15 =	vld [tilespmem:s0+$0x19370]  }
0xf0: {  	v6 =	vsel vm2, v11, v14;
	v7 =	vsel vm3, v7, v10;
	v10 =	vsel vm3, v13, v12;
	v11 =	vld [tilespmem:s0+$0x19870];
	[tilespmem:s12+$0x19A00] =	vst v5;
	s12 =	smov.u32 s0;
	s0 =	smov.u32 s1  }
0xf1: {  	vm1 =	veq.f32 v19, v9;
	vm2 =	veq.f32 v8, v7;
	vm3 =	vlt.s32 v18, v10;
	v5 =	vld [tilespmem:s12+$0x193C0]  }
0xf2: {  	vm5 =	vgt.f32 v8, v7;
	vm4 =	vlt.s32 v16, v6;
	v12 =	vld [tilespmem:s0+$0x19140];
	vm2 =	vmand vm2, vm3  }
0xf3: {  	vm3 =	vgt.f32 v19, v9;
	vm1 =	vmand vm1, vm4;
	v13 =	vld [tilespmem:s0+$0x19640];
	vm2 =	vmor vm5, vm2  }
0xf4: {  	s1 =	sshra.s32 s2, $0x2;
	vm1 =	vmor vm3, vm1;
	v7 =	vsel vm2, v8, v7;
	v8 =	vsel vm2, v18, v10;
	v10 =	vld [tilespmem:s12+$0x198C0]  }
0xf5: {  	v14 =	vld [tilespmem:s1+$0x19000];
	v9 =	vsel vm1, v19, v9;
	vm2 =	veq.f32 v15, v7;
	vm3 =	vlt.s32 v11, v8  }
0xf6: {  	v6 =	vsel vm1, v16, v6;
	vm1 =	vgt.f32 v15, v7;
	v18 =	vld [tilespmem:s1+$0x19050];
	vm2 =	vmand vm2, vm3  }
0xf7: {  	vm3 =	vgt.f32 v12, v9;
	vm4 =	veq.f32 v12, v9;
	vm1 =	vmor vm1, vm2;
	v16 =	vld [tilespmem:s12+$0x19910]  }
0xf8: {  	vm2 =	vlt.s32 v13, v6;
	v19 =	vld [tilespmem:s0+$0x19190];
	v7 =	vsel vm1, v15, v7;
	v8 =	vsel vm1, v11, v8  }
0xf9: {  	vm1 =	vmand vm4, vm2;
	v11 =	vld [tilespmem:s0+$0x19690];
	vm2 =	veq.f32 v5, v7;
	vm4 =	vlt.s32 v10, v8  }
0xfa: {  	vm1 =	vmor vm3, vm1;
	vm3 =	vgt.f32 v5, v7;
	vm4 =	vmand vm2, vm4  }
0xfb: {  	vm2 =	veq.f32 v18, v14;
	v9 =	vsel vm1, v12, v9;
	vm3 =	vmor vm3, vm4;
	v12 =	vld [tilespmem:s12+$0x19460]  }
0xfc: {  	v6 =	vsel vm1, v13, v6;
	v7 =	vsel vm3, v5, v7;
	v8 =	vsel vm3, v10, v8;
	v10 =	vld [tilespmem:s12+$0x19960]  }
0xfd: {  	vm1 =	veq.f32 v19, v9;
	vm3 =	veq.f32 v17, v7;
	vm4 =	vlt.s32 v16, v8;
	v5 =	vld [tilespmem:s12+$0x194B0]  }
0xfe: {  	vm6 =	vgt.f32 v17, v7;
	vm5 =	vlt.s32 v11, v6;
	v13 =	vld [tilespmem:s0+$0x191E0];
	vm3 =	vmand vm3, vm4  }
0xff: {  	vm4 =	vgt.f32 v19, v9;
	vm1 =	vmand vm1, vm5;
	v15 =	vld [tilespmem:s0+$0x196E0];
	vm3 =	vmor vm6, vm3  }
0x100: {  	vm1 =	vmor vm4, vm1;
	v7 =	vsel vm3, v17, v7;
	v8 =	vsel vm3, v16, v8;
	v16 =	vld [tilespmem:s12+$0x199B0]  }
0x101: {  	v9 =	vsel vm1, v19, v9;
	v17 =	vld [tilespmem:s0+$0x19230];
	vm3 =	veq.f32 v12, v7;
	vm4 =	vlt.s32 v10, v8  }
0x102: {  	v11 =	vsel vm1, v11, v6;
	vm1 =	vgt.f32 v12, v7;
	v19 =	vld [tilespmem:s0+$0x19730];
	vm3 =	vmand vm3, vm4  }
0x103: {  	v20 =	vld [tilespmem:s1+$0x19500];
	vm4 =	vgt.f32 v13, v9;
	vm5 =	veq.f32 v13, v9;
	vm1 =	vmor vm1, vm3  }
0x104: {  	v21 =	vld [tilespmem:s1+$0x19550];
	vm3 =	vlt.s32 v15, v11;
	v6 =	vsel vm1, v12, v7;
	v8 =	vsel vm1, v10, v8  }
0x105: {  	vm1 =	vmand vm5, vm3;
	vm3 =	veq.f32 v5, v6;
	vm5 =	vlt.s32 v16, v8  }
0x106: {  	vm1 =	vmor vm4, vm1;
	v10 =	vld [tilespmem:s0+$0x19280];
	vm4 =	vgt.f32 v5, v6;
	vm3 =	vmand vm3, vm5  }
0x107: {  	v13 =	vsel vm1, v13, v9;
	v15 =	vsel vm1, v15, v11;
	v12 =	vld [tilespmem:s0+$0x19780];
	vm1 =	vmor vm4, vm3  }
0x108: {  	vm3 =	veq.f32 v17, v13;
	vm4 =	vlt.s32 v19, v15;
	v7 =	vld [tilespmem:s0+$0x192D0];
	v8 =	vsel vm1, v16, v8  }
.Ltmp2:
0x109: {  	vm6 =	vgt.f32 v17, v13;
	vm5 =	vlt.s32 v21, v20;
	v9 =	vld [tilespmem:s1+$0x190A0];
	vm3 =	vmand vm3, vm4;
	[tilespmem:s12+$0x19A80] =	vst v8;
	(pc) =	sbr.rel @p0 .LBB2_5-.Ltmp2, $4  }
0x10a: {  	vm4 =	vgt.f32 v18, v14;
	vm2 =	vmand vm2, vm5;
	v11 =	vld [tilespmem:s1+$0x195A0];
	vm3 =	vmor vm6, vm3  }
0x10b: {  	vm2 =	vmor vm4, vm2;
	v16 =	vsel vm3, v17, v13;
	v17 =	vsel vm3, v19, v15;
	v13 =	vld [tilespmem:s0+$0x197D0]  }
0x10c: {  	v15 =	vsel vm2, v18, v14;
	vm3 =	veq.f32 v10, v16;
	vm4 =	vlt.s32 v12, v17  }
0x10d: {  	s2 =	sadd.s32 $0x40, s2;
	v14 =	vsel vm2, v21, v20;
	vm2 =	vgt.f32 v10, v16;
	vm3 =	vmand vm3, vm4;
	v8 =	vld [tilespmem:s0+$0x19320]  }
0x10e: {  	v18 =	vld [tilespmem:s0+$0x19820];
	vm4 =	veq.f32 v9, v15;
	vm2 =	vmor vm2, vm3  }
0x10f: {  	v19 =	vld [tilespmem:s1+$0x190F0];
	vm3 =	vlt.s32 v11, v14;
	v10 =	vsel vm2, v10, v16;
	v12 =	vsel vm2, v12, v17  }
0x110: {  	v30 =	vld [tilespmem:s1+$0x195F0];
	vm2 =	vmand vm4, vm3;
	vm3 =	veq.f32 v7, v10;
	vm9 =	vlt.s32 v13, v12  }
0x111: {  	v31 =	vld [tilespmem:s0+$0x19410];
	vm5 =	vgt.f32 v9, v15;
	vm10 =	vgt.f32 v7, v10;
	vm3 =	vmand vm3, vm9  }
0x112: {  	v20 =	vld [tilespmem:s0+$0x19370];
	v5 =	vsel vm1, v5, v6;
	vm2 =	vmor vm5, vm2;
	vm3 =	vmor vm10, vm3  }
0x113: {  	v6 =	vld [tilespmem:s0+$0x19870];
	[tilespmem:s12+$0x19A00] =	vst v5;
	v32 =	vsel vm2, v9, v15;
	v7 =	vsel vm3, v7, v10;
	v33 =	vsel vm3, v13, v12  }
0x114: {  	v34 =	vld [tilespmem:s0+$0x193C0];
	v5 =	vsel vm2, v11, v14;
	vm1 =	veq.f32 v8, v7;
	vm2 =	vlt.s32 v18, v33  }
0x115: {  	v35 =	vld [tilespmem:s1+$0x19140];
	vm3 =	veq.f32 v19, v32;
	vm11 =	vgt.f32 v8, v7;
	vm1 =	vmand vm1, vm2  }
0x116: {  	v36 =	vld [tilespmem:s1+$0x19640];
	vm12 =	vgt.f32 v19, v32;
	vm2 =	vlt.s32 v30, v5;
	vm1 =	vmor vm11, vm1  }
0x117: {  	v38 =	vld [tilespmem:s0+$0x198C0];
	vm2 =	vmand vm3, vm2;
	v7 =	vsel vm1, v8, v7;
	v37 =	vsel vm1, v18, v33  }
0x118: {  	vm1 =	vmor vm12, vm2;
	vm2 =	veq.f32 v20, v7;
	vm3 =	vlt.s32 v6, v37  }
0x119: {  	v9 =	vsel vm1, v19, v32;
	vm13 =	vgt.f32 v20, v7;
	vm2 =	vmand vm2, vm3  }
0x11a: {  	v5 =	vsel vm1, v30, v5;
	vm1 =	vgt.f32 v35, v9;
	vm2 =	vmor vm13, vm2  }
0x11b: {  	v39 =	vld [tilespmem:s0+$0x19910];
	vm3 =	veq.f32 v35, v9;
	v7 =	vsel vm2, v20, v7;
	v6 =	vsel vm2, v6, v37  }
0x11c: {  	v40 =	vld [tilespmem:s1+$0x19190];
	vm2 =	vlt.s32 v36, v5;
	vm14 =	veq.f32 v34, v7;
	vm15 =	vlt.s32 v38, v6  }
0x11d: {  	v41 =	vld [tilespmem:s1+$0x19690];
	vm2 =	vmand vm3, vm2;
	vm3 =	vgt.f32 v34, v7;
	vm4 =	vmand vm14, vm15  }
0x11e: {  	v42 =	vld [tilespmem:s0+$0x19460];
	vm1 =	vmor vm1, vm2;
	vm2 =	vmor vm3, vm4  }
0x11f: {  	v43 =	vld [tilespmem:s0+$0x19960];
	v9 =	vsel vm1, v35, v9;
	v7 =	vsel vm2, v34, v7;
	v6 =	vsel vm2, v38, v6  }
0x120: {  	v5 =	vsel vm1, v36, v5;
	vm1 =	veq.f32 v31, v7;
	vm2 =	vlt.s32 v39, v6  }
0x121: {  	v44 =	vld [tilespmem:s1+$0x191E0];
	vm3 =	veq.f32 v40, v9;
	vm8 =	vgt.f32 v31, v7;
	vm1 =	vmand vm1, vm2  }
0x122: {  	v45 =	vld [tilespmem:s1+$0x196E0];
	vm9 =	vgt.f32 v40, v9;
	vm2 =	vlt.s32 v41, v5;
	vm1 =	vmor vm8, vm1  }
0x123: {  	v46 =	vld [tilespmem:s0+$0x194B0];
	vm2 =	vmand vm3, vm2;
	v7 =	vsel vm1, v31, v7;
	v6 =	vsel vm1, v39, v6  }
0x124: {  	v47 =	vld [tilespmem:s0+$0x199B0];
	vm1 =	vmor vm9, vm2;
	vm2 =	veq.f32 v42, v7;
	vm3 =	vlt.s32 v43, v6  }
0x125: {  	v48 =	vld [tilespmem:s1+$0x19230];
	v8 =	vsel vm1, v40, v9;
	vm10 =	vgt.f32 v42, v7;
	vm2 =	vmand vm2, vm3  }
0x126: {  	v49 =	vld [tilespmem:s1+$0x19730];
	v5 =	vsel vm1, v41, v5;
	vm1 =	vgt.f32 v44, v8;
	vm2 =	vmor vm10, vm2  }
0x127: {  	vm3 =	veq.f32 v44, v8;
	vm11 =	vlt.s32 v45, v5;
	v7 =	vsel vm2, v42, v7  }
0x128: {  	v6 =	vsel vm2, v43, v6;
	vm2 =	vmand vm3, vm11;
	vm3 =	veq.f32 v46, v7  }
0x129: {  	v50 =	vld [tilespmem:s1+$0x19280];
	vm12 =	vlt.s32 v47, v6;
	vm1 =	vmor vm1, vm2;
	vm2 =	vgt.f32 v46, v7  }
0x12a: {  	v51 =	vld [tilespmem:s1+$0x19780];
	vm3 =	vmand vm3, vm12;
	v8 =	vsel vm1, v44, v8;
	v5 =	vsel vm1, v45, v5  }
0x12b: {  	vm1 =	vmor vm2, vm3;
	vm2 =	veq.f32 v48, v8;
	vm3 =	vlt.s32 v49, v5  }
0x12c: {  	vm13 =	vgt.f32 v48, v8;
	v6 =	vsel vm1, v47, v6;
	vm2 =	vmand vm2, vm3  }
0x12d: {  	v52 =	vld [tilespmem:s1+$0x192D0];
	[tilespmem:s0+$0x19A80] =	vst v6;
	vm2 =	vmor vm13, vm2  }
0x12e: {  	v6 =	vsel vm2, v48, v8;
	v5 =	vsel vm2, v49, v5;
	v53 =	vld [tilespmem:s1+$0x197D0]  }
0x12f: {  	vm2 =	veq.f32 v50, v6;
	vm3 =	vlt.s32 v51, v5  }
0x130: {  	vm14 =	vgt.f32 v50, v6;
	vm2 =	vmand vm2, vm3  }
0x131: {  	v54 =	vld [tilespmem:s1+$0x19320];
	vm2 =	vmor vm14, vm2  }
0x132: {  	v55 =	vld [tilespmem:s1+$0x19820];
	v6 =	vsel vm2, v50, v6;
	v5 =	vsel vm2, v51, v5  }
0x133: {  	vm2 =	veq.f32 v52, v6;
	vm3 =	vlt.s32 v53, v5  }
0x134: {  	vm15 =	vgt.f32 v52, v6;
	vm2 =	vmand vm2, vm3  }
0x135: {  	v56 =	vld [tilespmem:s1+$0x19370];
	vm2 =	vmor vm15, vm2  }
0x136: {  	v57 =	vld [tilespmem:s1+$0x19870];
	v6 =	vsel vm2, v52, v6;
	v5 =	vsel vm2, v53, v5  }
0x137: {  	v7 =	vsel vm1, v46, v7;
	vm1 =	veq.f32 v54, v6;
	vm2 =	vlt.s32 v55, v5  }
0x138: {  	v58 =	vld [tilespmem:s1+$0x19410];
	[tilespmem:s0+$0x19A00] =	vst v7;
	vm3 =	vgt.f32 v54, v6;
	vm1 =	vmand vm1, vm2  }
0x139: {  	v7 =	vld [tilespmem:s1+$0x193C0];
	vm1 =	vmor vm3, vm1  }
0x13a: {  	v59 =	vld [tilespmem:s1+$0x198C0];
	v6 =	vsel vm1, v54, v6;
	v5 =	vsel vm1, v55, v5  }
0x13b: {  	vm1 =	veq.f32 v56, v6;
	vm2 =	vlt.s32 v57, v5  }
0x13c: {  	vm3 =	vgt.f32 v56, v6;
	vm1 =	vmand vm1, vm2  }
0x13d: {  	vm1 =	vmor vm3, vm1  }
0x13e: {  	v60 =	vld [tilespmem:s1+$0x19910];
	v6 =	vsel vm1, v56, v6;
	v5 =	vsel vm1, v57, v5  }
0x13f: {  	vm1 =	veq.f32 v7, v6;
	vm2 =	vlt.s32 v59, v5  }
0x140: {  	vm3 =	vgt.f32 v7, v6;
	vm1 =	vmand vm1, vm2  }
0x141: {  	v61 =	vld [tilespmem:s1+$0x19460];
	vm1 =	vmor vm3, vm1  }
0x142: {  	v6 =	vsel vm1, v7, v6;
	v5 =	vsel vm1, v59, v5;
	v7 =	vld [tilespmem:s1+$0x19960]  }
0x143: {  	vm1 =	veq.f32 v58, v6;
	vm2 =	vlt.s32 v60, v5  }
0x144: {  	vm3 =	vgt.f32 v58, v6;
	vm1 =	vmand vm1, vm2  }
0x145: {  	v62 =	vld [tilespmem:s1+$0x194B0];
	vm1 =	vmor vm3, vm1  }
0x146: {  	v63 =	vld [tilespmem:s1+$0x199B0];
	v6 =	vsel vm1, v58, v6;
	v5 =	vsel vm1, v60, v5  }
0x147: {  	vm1 =	veq.f32 v61, v6;
	vm2 =	vlt.s32 v7, v5  }
0x148: {  	vm3 =	vgt.f32 v61, v6;
	vm1 =	vmand vm1, vm2  }
0x149: {  	vm1 =	vmor vm3, vm1  }
0x14a: {  	v6 =	vsel vm1, v61, v6;
	v5 =	vsel vm1, v7, v5  }
0x14b: {  	vm1 =	veq.f32 v62, v6;
	vm2 =	vlt.s32 v63, v5  }
0x14c: {  	vm3 =	vgt.f32 v62, v6;
	vm1 =	vmand vm1, vm2  }
0x14d: {  	vm1 =	vmor vm3, vm1  }
0x14e: {  	v5 =	vsel vm1, v63, v5  }
0x14f: {  	[tilespmem:s1+$0x19A80] =	vst v5;
	v5 =	vsel vm1, v62, v6  }
0x150: {  	[tilespmem:s1+$0x19A00] =	vst v5  }
0x151: {  	v5 =	vld [tilespmem:$0x19E00];
	_ =	sdelay $0x4  }
0x152: {  	(xrf0) =	vmax.scan.msk.f32 $0xffff, v5;
	_ =	sdelay $0x5  }
0x153: {  	v5, _, _ =	vpop (xrf0)  }
0x154: {  	(v2sf) =	vpush v5, $0xF;
	_ =	sdelay $0xe  }
0x155: {  	s1 =	simm.s32 $0x0;
	s0 =	spop (v2sf)  }
.LBB2_7:
0x156: {  	v5 =	vld [tilespmem:$0x19A00]  }
0x157: {  	v6 =	vld [tilespmem:$0x19A80]  }
0x158: {  	v7 =	vld [tilespmem:$0x19A10]  }
0x159: {  	v8 =	vld [tilespmem:$0x19A90];
	_ =	sdelay $0x2  }
0x15a: {  	v9 =	vld [tilespmem:$0x19A20]  }
0x15b: {  	v10 =	vld [tilespmem:$0x19AA0]  }
0x15c: {  	vm1 =	veq.f32 v7, v5;
	vm2 =	vlt.s32 v8, v6  }
0x15d: {  	vm3 =	vgt.f32 v7, v5;
	vm1 =	vmand vm1, vm2  }
0x15e: {  	v11 =	vld [tilespmem:$0x19A30];
	vm1 =	vmor vm3, vm1  }
0x15f: {  	v5 =	vsel vm1, v7, v5;
	v6 =	vsel vm1, v8, v6;
	v7 =	vld [tilespmem:$0x19AB0]  }
0x160: {  	vm1 =	veq.f32 v9, v5;
	vm2 =	vlt.s32 v10, v6  }
0x161: {  	vm3 =	vgt.f32 v9, v5;
	vm1 =	vmand vm1, vm2  }
0x162: {  	v37 =	vld [tilespmem:$0x19A40];
	vm1 =	vmor vm3, vm1  }
0x163: {  	v38 =	vld [tilespmem:$0x19AC0];
	v5 =	vsel vm1, v9, v5;
	v6 =	vsel vm1, v10, v6  }
0x164: {  	vm1 =	veq.f32 v11, v5;
	vm2 =	vlt.s32 v7, v6  }
0x165: {  	vm3 =	vgt.f32 v11, v5;
	vm1 =	vmand vm1, vm2  }
0x166: {  	vm1 =	vmor vm3, vm1  }
0x167: {  	v5 =	vsel vm1, v11, v5;
	v6 =	vsel vm1, v7, v6  }
0x168: {  	vm1 =	veq.f32 v37, v5;
	vm2 =	vlt.s32 v38, v6  }
0x169: {  	vm3 =	vgt.f32 v37, v5;
	vm1 =	vmand vm1, vm2  }
0x16a: {  	vm1 =	vmor vm3, vm1  }
0x16b: {  	v5 =	vsel vm1, v37, v5  }
0x16c: {  	(xrf0) =	vmax.scan.msk.f32 $0xffff, v5;
	_ =	sdelay $0x5  }
0x16d: {  	v7, _, _ =	vpop (xrf0)  }
0x16e: {  	v39 =	vbroadcast v7, $0xF  }
0x16f: {  	v6 =	vsel vm1, v38, v6  }
0x170: {  	vm1 =	veq.f32 v5, v39;
	v5 =	vxor.u32 $0x80000000, v6  }
0x171: {  	v5 =	vnsel vm1, $0xFFFFFFFF, v5  }
0x172: {  	(xrf0) =	vmin.scan.msk.u32 $0xffff, v5;
	_ =	sdelay $0x5  }
0x173: {  	(v2sf) =	vpush v7, $0xF;
	v5, _, _ =	vpop (xrf0)  }
0x174: {  	(v2sf) =	vpush v5, $0xF;
	_ =	sdelay $0xd  }
0x175: {  	s12 =	spop (v2sf)  }
0x176: {  	s2 =	spop (v2sf)  }
0x177: {  	s2 =	sxor.u32 $0x80000000, s2  }
0x178: {  	s5 =	smul.u32 $0x68DC, s2;
	_ =	sdelay $0x1  }
0x179: {  	s5 =	sshra.s32 s5, $0x19  }
0x17a: {  	p0 =	sge.f32 s12, $0.0e+00;
	s6 =	smul.u32 $0xFFFFFB1E, s5  }
0x17b: {  	vm2 =	vmmov vm0;
	s5 =	smul.u32 $0x500, s5  }
0x17c: {  	vm1 =	vmmov $0x1;
	vm2 =	vmneg @p0 vm2;
	s6 =	sadd.s32 s2, s6  }
0x17d: {  	v5 =	vmul.u32 $0x500, v3;
	vm2 =	vmand vm2, vm1;
	s5 =	sadd.s32 s5, s6  }
0x17e: {  	v6 =	vmov s5  }
0x17f: {  	v5 =	vadd.s32 s6, v5;
	_ =	sdelay $0x3  }
0x180: {  	[tilespmem:v6+s3+$0x0] =	vst.idx.msk vm2, v4  }
0x181: {  	v5 =	vld.idx.msk [tilespmem:v5+s3+$0x0], $0xffff;
	_ =	sdelay $0x4  }
0x182: {  	(xrf0) =	vmax.scan.msk.f32 $0xffff, v5;
	_ =	sdelay $0x5  }
0x183: {  	v6 =	vmul.u32 $0x4E2, v3;
	v7, _, _ =	vpop (xrf0)  }
0x184: {  	v7 =	vbroadcast v7, $0xF  }
0x185: {  	v6 =	vadd.s32 s6, v6  }
0x186: {  	vm2 =	veq.f32 v5, v7;
	v5 =	vxor.u32 $0x80000000, v6  }
0x187: {  	v5 =	vnsel vm2, $0xFFFFFFFF, v5  }
0x188: {  	(xrf0) =	vmin.scan.msk.u32 $0xffff, v5;
	_ =	sdelay $0x5  }
0x189: {  	v5, _, _ =	vpop (xrf0)  }
0x18a: {  	(v2sf) =	vpush v5, $0xF;
	_ =	sdelay $0x7  }
0x18b: {  	s19 =	smul.u32 $0x199A, s6;
	_ =	sdelay $0x1  }
0x18c: {  	s5 =	sshra.s32 s19, $0x13  }
0x18d: {  	s5 =	smul.u32 $0xFFFFFFB0, s5  }
0x18e: {  	v6 =	vmul.u32 $0x50, v3;
	v5 =	vmov s6  }
0x18f: {  	s5 =	sadd.s32 s6, s5  }
0x190: {  	v6 =	vadd.s32 s5, v6  }
0x191: {  	s19 =	spop (v2sf)  }
0x192: {  	s6 =	sxor.u32 $0x80000000, s19  }
0x193: {  	[tilespmem:v5+s20+$0x0] =	vst.idx.msk $0x1, v7;
	v7 =	vmov s6  }
0x194: {  	[tilespmem:v5+s21+$0x0] =	vst.idx.msk $0x1, v7  }
0x195: {  	v5 =	vld.idx.msk [tilespmem:v6+s20+$0x0], $0xffff;
	_ =	sdelay $0x4  }
0x196: {  	(xrf0) =	vmax.scan.msk.f32 $0xffff, v5;
	_ =	sdelay $0x3  }
0x197: {  	v6 =	vld.idx.msk [tilespmem:v6+s21+$0x0], $0xffff;
	_ =	sdelay $0x1  }
0x198: {  	v7, _, _ =	vpop (xrf0)  }
0x199: {  	v7 =	vbroadcast v7, $0xF;
	_ =	sdelay $0x1  }
0x19a: {  	vm2 =	veq.f32 v5, v7;
	v5 =	vxor.u32 $0x80000000, v6  }
0x19b: {  	v5 =	vnsel vm2, $0xFFFFFFFF, v5  }
0x19c: {  	(xrf0) =	vmin.scan.msk.u32 $0xffff, v5;
	_ =	sdelay $0x5  }
0x19d: {  	v5, _, _ =	vpop (xrf0)  }
0x19e: {  	(v2sf) =	vpush v5, $0xF;
	_ =	sdelay $0xb  }
0x19f: {  	v6 =	vmov s5;
	_ =	sdelay $0x1  }
0x1a0: {  	v5 =	vmov s2  }
0x1a1: {  	s6 =	spop (v2sf)  }
0x1a2: {  	s2 =	sxor.u32 $0x80000000, s6  }
0x1a3: {  	[tilespmem:v6+s22+$0x0] =	vst.idx.msk $0x1, v7;
	v7 =	vmov s2  }
0x1a4: {  	[tilespmem:v6+s23+$0x0] =	vst.idx.msk $0x1, v7  }
0x1a5: {  	v9 =	vld.idx.msk [tilespmem:v5+s15+$0x0], $0xffff  }
0x1a6: {  	v8 =	vld.idx.msk [tilespmem:v5+s16+$0x0], $0xffff  }
0x1a7: {  	v6 =	vld.idx.msk [tilespmem:v5+s17+$0x0], $0xffff  }
0x1a8: {  	v7 =	vld.idx.msk [tilespmem:v5+s18+$0x0], $0xffff  }
0x1a9: {  	v40 =	vld [tilespmem:$0x19B00]  }
0x1aa: {  	v41 =	vld [tilespmem:$0x19B80]  }
0x1ab: {  	v12 =	vld [tilespmem:$0x19C00]  }
0x1ac: {  	v13 =	vld [tilespmem:$0x19C80]  }
0x1ad: {  	v14 =	vld [tilespmem:$0x19D00]  }
0x1ae: {  	v15 =	vld [tilespmem:$0x19B10]  }
0x1af: {  	v16 =	vld [tilespmem:$0x19B90]  }
0x1b0: {  	v18 =	vld [tilespmem:$0x19C10]  }
0x1b1: {  	v20 =	vld [tilespmem:$0x19C90]  }
0x1b2: {  	v22 =	vld [tilespmem:$0x19B20]  }
0x1b3: {  	v23 =	vld [tilespmem:$0x19BA0]  }
0x1b4: {  	v42 =	vld [tilespmem:$0x19C20]  }
0x1b5: {  	v24 =	vld [tilespmem:$0x19B30]  }
0x1b6: {  	v47 =	vld [tilespmem:$0x19BB0]  }
0x1b7: {  	v51 =	vld [tilespmem:$0x19B40]  }
0x1b8: {  	v25 =	vld [tilespmem:$0x19BC0]  }
0x1b9: {  	v26 =	vld [tilespmem:$0x19C40];
	v17 =	vsub.f32 v6, v9  }
0x1ba: {  	v58 =	vld [tilespmem:$0x19C50];
	v19 =	vsub.f32 v7, v8;
	v10 =	vmax.f32 v9, v40;
	v12 =	vmin.f32 v6, v12  }
0x1bb: {  	v62 =	vld [tilespmem:$0x19B60];
	v11 =	vmax.f32 v8, v41;
	v13 =	vmin.f32 v7, v13;
	v15 =	vmax.f32 v9, v15  }
0x1bc: {  	v48 =	vld [tilespmem:$0x19C30];
	v16 =	vmax.f32 v8, v16;
	v18 =	vmin.f32 v6, v18;
	v20 =	vmin.f32 v7, v20  }
0x1bd: {  	v49 =	vld [tilespmem:$0x19CB0];
	v22 =	vmax.f32 v9, v22;
	v23 =	vmax.f32 v8, v23;
	v57 =	vmax.f32 v9, v24  }
0x1be: {  	v21 =	vld [tilespmem:$0x19D10];
	v60 =	vmax.f32 v9, v51;
	v61 =	vmin.f32 v6, v26;
	v25 =	vmax.f32 v8, v25  }
0x1bf: {  	v52 =	vld [tilespmem:$0x19CC0];
	v35 =	vmin.f32 v6, v58;
	v12 =	vsub.f32 v12, v10;
	v11 =	vsub.f32 v13, v11  }
0x1c0: {  	v43 =	vld [tilespmem:$0x19CA0];
	v38 =	vmax.f32 v9, v62;
	v45 =	vsub.f32 v18, v15;
	v46 =	vsub.f32 v20, v16  }
0x1c1: {  	v28 =	vld [tilespmem:$0x19C60];
	v13 =	vmin.f32 v6, v42;
	v18 =	vmin.f32 v6, v48;
	v16 =	vmax.f32 v8, v47  }
0x1c2: {  	v44 =	vld [tilespmem:$0x19D20];
	v20 =	vmin.f32 v7, v49;
	v17 =	vmax.f32 v17, $0.0e+00;
	v13 =	vsub.f32 v13, v22  }
0x1c3: {  	v55 =	vld [tilespmem:$0x19B50];
	v19 =	vmax.f32 v19, $0.0e+00;
	v18 =	vsub.f32 v18, v57;
	v16 =	vsub.f32 v20, v16  }
0x1c4: {  	v59 =	vld [tilespmem:$0x19CD0];
	v22 =	vmin.f32 v7, v52;
	v20 =	vsub.f32 v61, v60;
	v10 =	vmul.f32 v19, v17  }
0x1c5: {  	v63 =	vld [tilespmem:$0x19BE0];
	v12 =	vmax.f32 v12, $0.0e+00;
	v11 =	vmax.f32 v11, $0.0e+00;
	v15 =	vmax.f32 v46, $0.0e+00  }
0x1c6: {  	v30 =	vld [tilespmem:$0x19CE0];
	v17 =	vmin.f32 v7, v43;
	v22 =	vsub.f32 v22, v25;
	v25 =	vmin.f32 v6, v28  }
0x1c7: {  	v34 =	vld [tilespmem:$0x19D30];
	v11 =	vmul.f32 v11, v12;
	v12 =	vmax.f32 v45, $0.0e+00;
	v54 =	vsub.f32 v17, v23  }
0x1c8: {  	v36 =	vld [tilespmem:$0x19D40];
	v13 =	vmax.f32 v13, $0.0e+00;
	v18 =	vmax.f32 v18, $0.0e+00;
	v16 =	vmax.f32 v16, $0.0e+00  }
0x1c9: {  	v37 =	vld [tilespmem:$0x19D50];
	v32 =	vmax.f32 v20, $0.0e+00;
	v17 =	vmax.f32 v9, v55;
	v23 =	vmin.f32 v7, v59  }
0x1ca: {  	v39 =	vld [tilespmem:$0x19D60];
	v24 =	vsub.f32 v25, v38;
	v14 =	vadd.f32 v14, v10;
	v12 =	vmul.f32 v15, v12  }
0x1cb: {  	v56 =	vld [tilespmem:$0x19BD0];
	v50 =	vadd.f32 v21, v10;
	v29 =	vmul.f32 v16, v18;
	v31 =	vadd.f32 v44, v10  }
0x1cc: {  	v33 =	vmax.f32 v22, $0.0e+00;
	v17 =	vsub.f32 v35, v17;
	v41 =	vadd.f32 v34, v10  }
0x1cd: {  	v21 =	vmax.f32 v8, v63;
	v14 =	vsub.f32 v14, v11;
	v15 =	vsub.f32 v50, v12  }
0x1ce: {  	v16 =	vmin.f32 v7, v30;
	v42 =	vadd.f32 v36, v10;
	v44 =	vadd.f32 v37, v10  }
0x1cf: {  	v45 =	vadd.f32 v39, v10;
	v14 =	vmax.f32 v14, $9.999999710e-10;
	v53 =	vmax.f32 v15, $9.999999710e-10  }
0x1d0: {  	v15 =	vmax.f32 v54, $0.0e+00;
	(erf) = vrcp.f32 v14;
	v14 =	vmax.f32 v8, v56  }
0x1d1: {  	v19 =	vmul.f32 v33, v32;
	v13 =	vmul.f32 v15, v13;
	v14 =	vsub.f32 v23, v14  }
0x1d2: {  	v16 =	vsub.f32 v16, v21;
	v43 =	vmax.f32 v24, $0.0e+00;
	v17 =	vmax.f32 v17, $0.0e+00  }
0x1d3: {  	v18 =	vsub.f32 v41, v29;
	v40 =	vsub.f32 v31, v13;
	v14 =	vmax.f32 v14, $0.0e+00  }
0x1d4: {  	v16 =	vmax.f32 v16, $0.0e+00;
	v20 =	vsub.f32 v42, v19;
	v14 =	vmul.f32 v14, v17  }
0x1d5: {  	v16 =	vmul.f32 v16, v43;
	(erf) = vrcp.f32 v53;
	v17 =	vmax.f32 v40, $9.999999710e-10  }
0x1d6: {  	v46 =	vmax.f32 v18, $9.999999710e-10;
	(erf) = vrcp.f32 v17;
	v47 =	vsub.f32 v44, v14  }
0x1d7: {  	v48 =	vmax.f32 v20, $9.999999710e-10;
	v49 =	vsub.f32 v45, v16;
	(erf) = vrcp.f32 v46  }
0x1d8: {  	(erf) = vrcp.f32 v48;
	v50 =	vmax.f32 v47, $9.999999710e-10  }
0x1d9: {  	v51 =	vmax.f32 v49, $9.999999710e-10;
	(erf) = vrcp.f32 v50  }
0x1da: {  	(erf) = vrcp.f32 v51;
	_ =	sdelay $0x2  }
0x1db: {  	v52 =	vpop (erf)  }
0x1dc: {  	v53 =	vpop (erf);
	v11 =	vmul.f32 v52, v11  }
0x1dd: {  	v12 =	vmul.f32 v53, v12;
	v54 =	vpop (erf)  }
0x1de: {  	v11 =	vmax.f32 v11, $0.0e+00;
	v55 =	vpop (erf);
	v13 =	vmul.f32 v54, v13  }
0x1df: {  	v11 =	vmax.f32 v11, v12;
	v56 =	vpop (erf);
	v57 =	vmul.f32 v55, v29  }
0x1e0: {  	v11 =	vmax.f32 v11, v13;
	v59 =	vmul.f32 v56, v19;
	v58 =	vpop (erf)  }
0x1e1: {  	v11 =	vmax.f32 v11, v57;
	v60 =	vmul.f32 v58, v14;
	v61 =	vpop (erf)  }
0x1e2: {  	v11 =	vmax.f32 v11, v59;
	v62 =	vmul.f32 v61, v16  }
0x1e3: {  	v11 =	vmax.f32 v11, v60  }
0x1e4: {  	v11 =	vmax.f32 v11, v62  }
0x1e5: {  	(xrf0) =	vmax.scan.msk.f32 $0xffff, v11;
	_ =	sdelay $0x5  }
0x1e6: {  	v11, _, _ =	vpop (xrf0)  }
0x1e7: {  	(v2sf) =	vpush v11, $0xF;
	_ =	sdelay $0xe  }
0x1e8: {  	s19 =	spop (v2sf)  }
0x1e9: {  	p1 =	sgt.f32 s19, s0;
	_ =	sdelay $0x1  }
0x1ea: {  	p1 =	por !p1, !p1  }
0x1eb: {  	p0 =	por !p0, !p1  }
0x1ec: {  	vm2 =	vmmov vm0;
	p0 =	por !p0, !p0  }
0x1ed: {  	vm2 =	vmneg @p0 vm2  }
0x1ee: {  	s2 =	simm.s32 $0x1;
	vm1 =	vmand vm2, vm1  }
0x1ef: {  	v63 =	vmov s1;
	s2 =	simm.s32 @!p0 $0x0  }
0x1f0: {  	s1 =	sadd.s32 s2, s1  }
0x1f1: {  	p0 =	sgt.u32 s1, $0x63  }
0x1f2: {  	p1 =	sge.f32 @!p0 s12, $0.0e+00;
	_ =	sdelay $0x1  }
0x1f3: {  	p0 =	por p0, !p1;
	[tilespmem:v63+s24+$0x0] =	vst.idx.msk vm1, v5  }
.Ltmp3:
0x1f4: {  	[tilespmem:v63+s25+$0x0] =	vst.idx.msk vm1, v9;
	(pc) =	sbr.rel @!p0 .LBB2_7-.Ltmp3, $4  }
0x1f5: {  	[tilespmem:v63+s26+$0x0] =	vst.idx.msk vm1, v8  }
0x1f6: {  	[tilespmem:v63+s28+$0x0] =	vst.idx.msk vm1, v6  }
0x1f7: {  	[tilespmem:v63+s29+$0x0] =	vst.idx.msk vm1, v7  }
0x1f8: {  	[tilespmem:v63+s30+$0x0] =	vst.idx.msk vm1, v10  }
0x1f9: {  	s31 =	sadd.s32 $0x1, s31  }
0x1fa: {  	p0 =	sne.s32 s31, s10  }
.Ltmp4:
0x1fb: {  	_ = 	snop;
	(pc) =	sbr.rel @p0 .LBB2_2-.Ltmp4, $4  }
0x1fc: {  	[hbm4b:s8+s3] =	stream.linear.scatter [tilespmem:s24], [sflag:$0x1], $0x80, $0x38;
	[tilespmem:$0x19E80] =	vst v63  }
0x1fd: {  	_ =	swait.ge [sflag:s13], $0x80  }
0x1fe: {  	[sflag:s13] =	ssyncset.done $0x0  }
0x1ff: {  	[sflag:s13] =	ssyncadd.s32 $0xFFFFFF80  }
.LBB2_9:
0x200: {  	_ =	sfence.sel $0x180000  }
0x201: {  	[bflag:$0x0] =	sbarrier.arrive $0xFFFF  }
0x202: {  	_ =	strace $0x90000047  }
0x203: {  	s0 =	stileid.u32;
	[bflag:$0x2] =	sbarrier.arrive $0xFFFF  }
0x204: {  	p0 =	sne.s32 s0, $0x0;
	s0 =	rddreg [dreg:$0x4]  }
0x205: {  	s0 =	sadd.s32 @!p0 $0x100000, s0  }
0x206: {  	[sflag:s0] =	ssyncadd.tile.s32 @!p0 $0x1;
	_ =	shalt  }
.Lfunc_end2:
_tile_overlayer_lowered:
.L_overlay_start_2:
0x207: {  	(tag) =	ssettag $0x2  }
0x208: {  	s0 =	rddreg [dreg:$0x0];
	s2 =	stileid.u32  }
0x209: {  	s1 =	rddreg [dreg:$0x1];
	p0 =	sne.s32 s2, $0x0  }
0x20a: {  	s3 =	rddreg [dreg:$0x2];
	[bflag:$0x3] =	sbarrier.arrive $0xFFFF;
	s2 =	simm.s32 @!p0 $0x1C02  }
0x20b: {  	[timem:s3], [sflag:s2] =	dma.local @!p0 [hbm:s0], s1  }
0x20c: {  	s0 =	simm.s32 @!p0 $0x2  }
0x20d: {  	_ =	swait.ge @!p0 [sflag:s0], s1  }
0x20e: {  	s1 =	ssub.s32 @!p0 $0x0, s1;
	[sflag:s0] =	ssyncset.done @!p0 $0x0  }
0x20f: {  	[sflag:s0] =	ssyncadd.s32 @!p0 s1  }
0x210: {  	[bflag:$0x3] =	sbarrier.arrive $0xFFFF  }
0x211: {  	_ =	shalt  }

</sc_bundles>
